<compile_context>
chip_gen: v7x
topology: tpu7x:2x2x1
jax: 0.10.2.dev20260603
libtpu: 0.0.44.dev20260713+nightly
codegen_flags: <defaults>
</compile_context>

<pallas_src>
import functools

import jax
import jax.numpy as jnp
from jax import lax
from jax.experimental import pallas as pl
from jax.experimental.pallas import tpu as pltpu
from jax.experimental.pallas import tpu_sc as plsc

B, L, NC = 4096, 50, 26
V = 100000
ED = 32
ND = 13
DM = 128

TOK = B * L
SLOTS = 32
IDX2 = TOK * SLOTS
VB = 4096
VP = 25 * VB
TROWS = NC * VP
IDX_PER_STREAM = 128
FIRES = 16
CHUNK = FIRES * IDX_PER_STREAM


def _table_lines(emb_t):

    def body(x_ref, out_ref):
        j = pl.program_id(1)
        x = x_ref[0]
        vid = lax.broadcasted_iota(jnp.int32, (ED, VB), 1) + j * VB
        x = jnp.where(vid <= V, x, 0.0)
        xt3 = x.T.reshape(VB // 4, 4, ED)
        out_ref[0] = jnp.concatenate([xt3[:, a, :] for a in range(4)], axis=1)

    nvb = VP // VB

    return pl.pallas_call(
        body,
        grid=(NC, nvb),
        in_specs=[pl.BlockSpec((1, ED, VB), lambda i, j: (i, 0, j))],
        out_specs=pl.BlockSpec((1, VB // 4, 128), lambda i, j: (i, j, 0)),
        out_shape=jax.ShapeDtypeStruct((NC, VP // 4, 128), jnp.float32),
    )(emb_t)


def _sc_gather(flat_table, idx2d):
    info = plsc.get_sparse_core_info()
    nw = info.num_cores * info.num_subcores
    total_chunks = IDX2 // CHUNK
    assert total_chunks % nw == 0
    chunks_per_worker = total_chunks // nw

    mesh = plsc.VectorSubcoreMesh(core_axis_name="c", subcore_axis_name="s")

    @functools.partial(
        pl.kernel,
        out_type=jax.ShapeDtypeStruct((IDX2, ED), jnp.float32),
        mesh=mesh,
        scratch_types=[
            pltpu.VMEM((FIRES, IDX_PER_STREAM), jnp.int32),
            pltpu.VMEM((CHUNK, ED), jnp.float32),
            pltpu.SemaphoreType.DMA,
        ],
        compiler_params=pltpu.CompilerParams(use_tc_tiling_on_sc=False),
    )
    def gather_kernel(table_hbm, idx_hbm, out_hbm, idx_v, rows_v, sem):
        wid = lax.axis_index("s") * info.num_cores + lax.axis_index("c")

        def chunk_body(k, carry):
            cid = wid * chunks_per_worker + k
            idx_off = pl.multiple_of(cid * FIRES, 8)
            row_off = pl.multiple_of(cid * CHUNK, 8)
            pltpu.sync_copy(idx_hbm.at[pl.ds(idx_off, FIRES)], idx_v)
            cps = []
            for j in range(FIRES):
                cps.append(pltpu.async_copy(
                    table_hbm.at[idx_v.at[j]],
                    rows_v.at[pl.ds(j * IDX_PER_STREAM, IDX_PER_STREAM)],
                    sem,
                ))
            for cp in cps:
                cp.wait()
            pltpu.sync_copy(rows_v, out_hbm.at[pl.ds(row_off, CHUNK)])
            return carry

        lax.fori_loop(0, chunks_per_worker, chunk_body, 0, unroll=False)

    return gather_kernel(flat_table, idx2d)


def _tc_matmul_body(x_ref, num_ref, wp_ref, wn_ref, wf2_ref, bn_ref, bf_ref,
                    out_ref):
    acc = jnp.dot(x_ref[:, 0, :], wp_ref[pl.ds(0, 128), :],
                  preferred_element_type=jnp.float32)
    for r in range(1, 8):
        acc += jnp.dot(x_ref[:, r, :], wp_ref[pl.ds(r * 128, 128), :],
                       preferred_element_type=jnp.float32)
    num_proj = (
        jnp.dot(num_ref[...], wn_ref[...], preferred_element_type=jnp.float32)
        + bn_ref[...]
    )
    acc += jnp.dot(num_proj, wf2_ref[...], preferred_element_type=jnp.float32)
    out_ref[...] = acc + bf_ref[...]


def _tc_matmul(x3, num_flat, w_pad, w_num, wf_num, b_num, b_final):
    bm = 1024
    grid = (TOK // bm,)
    return pl.pallas_call(
        _tc_matmul_body,
        grid=grid,
        in_specs=[
            pl.BlockSpec((bm, 8, 128), lambda i: (i, 0, 0)),
            pl.BlockSpec((bm, ND), lambda i: (i, 0)),
            pl.BlockSpec((SLOTS * ED, DM), lambda i: (0, 0)),
            pl.BlockSpec((ND, ED), lambda i: (0, 0)),
            pl.BlockSpec((ED, DM), lambda i: (0, 0)),
            pl.BlockSpec((1, ED), lambda i: (0, 0)),
            pl.BlockSpec((1, DM), lambda i: (0, 0)),
        ],
        out_specs=pl.BlockSpec((bm, DM), lambda i: (i, 0)),
        out_shape=jax.ShapeDtypeStruct((TOK, DM), jnp.float32),
    )(x3, num_flat, w_pad, w_num, wf_num, b_num, b_final)


def kernel(cat_feats, num_feats, emb_tables, W_num, b_num, W_final, b_final):
    lines = _table_lines(emb_tables.transpose(0, 2, 1))
    flat_table = lines.reshape(TROWS, ED)

    offsets = (jnp.arange(NC, dtype=jnp.int32) * VP)[None, None, :]
    idx_real = cat_feats.astype(jnp.int32) + offsets
    npad = SLOTS - NC
    spread = NC * (VP - V - 1)
    p = (lax.broadcasted_iota(jnp.int32, (B, L, npad), 0) * (L * npad)
         + lax.broadcasted_iota(jnp.int32, (B, L, npad), 1) * npad
         + lax.broadcasted_iota(jnp.int32, (B, L, npad), 2))
    q = p % spread
    idx_pad = (q // (VP - V - 1)) * VP + (V + 1) + q % (VP - V - 1)
    idx2d = jnp.concatenate([idx_real, idx_pad], axis=-1).reshape(
        IDX2 // IDX_PER_STREAM, IDX_PER_STREAM)

    x3 = _sc_gather(flat_table, idx2d).reshape(TOK, 8, 128)

    w_pad = jnp.concatenate(
        [W_final[: NC * ED],
         jnp.zeros((SLOTS * ED - NC * ED, DM), jnp.float32)])

    out = _tc_matmul(
        x3,
        num_feats.reshape(TOK, ND),
        w_pad,
        W_num,
        W_final[NC * ED:],
        b_num.reshape(1, ED),
        b_final.reshape(1, DM),
    )
    return out.reshape(B, L, DM)

# --- scband reference (transcript-rebuilt; emitter-appended) ---
"""Pipeline reference for scband-multi-feature-embedding-86620900425918 (READ-ONLY COPY).

The authoritative reference and input builder live on the scoring server;
editing this copy changes nothing except your own understanding.
"""

import jax, jax.numpy as jnp
import numpy as np

B, L, NC = 4096, 50, 26
V = 100000
ED = 32
ND = 13
DM = 128


def setup_inputs(seed: int = 0) -> dict:
    key = jax.random.key(seed)
    ks = jax.random.split(key, 7)
    cat_feats = jax.random.randint(ks[0], (B, L, NC), 0, V)  # values < V, never hit padding row V
    num_feats = jax.random.normal(ks[1], (B, L, ND), dtype=jnp.float32)
    # stacked embedding tables, one per categorical column, each (V+1, ED) with padding row at index V
    emb_tables = jax.random.normal(ks[2], (NC, V + 1, ED), dtype=jnp.float32) * 0.02
    emb_tables = emb_tables.at[:, V, :].set(0.0)  # padding_idx row is zero, matching torch init
    W_num = jax.random.normal(ks[3], (ND, ED), dtype=jnp.float32) * 0.05
    b_num = jnp.zeros((ED,), dtype=jnp.float32)
    W_final = jax.random.normal(ks[4], (NC * ED + ED, DM), dtype=jnp.float32) * 0.02
    b_final = jnp.zeros((DM,), dtype=jnp.float32)
    return {
        "cat_feats": cat_feats,
        "num_feats": num_feats,
        "emb_tables": emb_tables,
        "W_num": W_num,
        "b_num": b_num,
        "W_final": W_final,
        "b_final": b_final,
    }


def reference(cat_feats, num_feats, emb_tables, W_num, b_num, W_final, b_final):
    # per-column embedding gather: emb_tables[i][cat_feats[:, :, i]]
    # vmap over the NC tables / index columns -> (NC, B, L, ED)
    gathered = jax.vmap(lambda t, idx: jnp.take(t, idx, axis=0), in_axes=(0, 2))(emb_tables, cat_feats)
    # concat in cat_cols order along last dim -> (B, L, NC*ED)
    cat_stack = jnp.transpose(gathered, (1, 2, 0, 3)).reshape(B, L, NC * ED)
    num_proj = jnp.dot(num_feats, W_num) + b_num
    combined = jnp.concatenate([cat_stack, num_proj], axis=-1)
    out = jnp.dot(combined, W_final) + b_final
    return out

if __name__ == "__main__":
    import jax
    _d = setup_inputs()
    print(jax.jit(kernel)(*tuple(_d.values())))

</pallas_src>

<mosaic_0001>
#map = affine_map<(d0, d1) -> (0, 0)>
module attributes {stable_mosaic.version = 14 : i64} {
  func.func @gather_kernel(%arg0: i32, %arg1: i32, %arg2: memref<2662400x32xf32, #tpu.memory_space<hbm>>, %arg3: memref<51200x128xi32, #tpu.memory_space<hbm>>, %arg4: memref<6553600x32xf32, #tpu.memory_space<hbm>>, %arg5: memref<16x128xi32, #tpu.memory_space<vmem>>, %arg6: memref<2048x32xf32, #tpu.memory_space<vmem>>, %arg7: memref<!tpu.dma_semaphore, #tpu.memory_space<semaphore_mem>>) attributes {dimension_semantics = [#tpu.dimension_semantics<core_parallel>, #tpu.dimension_semantics<subcore_parallel>], iteration_bounds = array<i64: 2, 16>, scalar_prefetch = 0 : i64, scratch_operands = 3 : i64, tpu.core_type = #tpu.core_type<sc_vector_subcore>, window_params = [{transform_indices = #map}, {transform_indices = #map}, {transform_indices = #map}]} {
    %mul3A = arith.constant 2 : i32
    %mul3A_0 = arith.muli %arg1, %mul3A : i32
    %add3A = arith.addi %mul3A_0, %arg0 : i32
    %scan3A = arith.constant 0 : i32
    %scan3A_1 = arith.constant 0 : i32
    %scan3A_2 = arith.constant 100 : i32
    %scan3A_3 = arith.addi %scan3A_1, %scan3A_2 : i32
    %scan3A_4 = arith.constant 1 : i32
    scf.for %scan3A_6 = %scan3A_1 to %scan3A_3 step %scan3A_4  : i32 {
      %mul3A_7 = arith.constant 100 : i32
      %mul3A_8 = arith.muli %add3A, %mul3A_7 : i32
      %add3A_9 = arith.addi %mul3A_8, %scan3A_6 : i32
      %mul3A_10 = arith.constant 16 : i32
      %mul3A_11 = arith.muli %add3A_9, %mul3A_10 : i32
      %multiple_of3A = tpu.assume_multiple %mul3A_11, 8 : i32
      %mul3A_12 = arith.constant 2048 : i32
      %mul3A_13 = arith.muli %add3A_9, %mul3A_12 : i32
      %multiple_of3A_14 = tpu.assume_multiple %mul3A_13, 8 : i32
      "tpu.region"() ({
        %run_scoped3A = tpu.sem_alloc : memref<!tpu.dma_semaphore, #tpu.memory_space<semaphore_mem>>
        %dma_start3A_333 = arith.constant 0 : i32
        %dma_start3A_334 = tpu.memref_slice %arg3[%multiple_of3A, %dma_start3A_333] : memref<51200x128xi32, #tpu.memory_space<hbm>> -> memref<16x128xi32, #tpu.memory_space<hbm>>
        %dma_start3A_335 = arith.constant 0 : i32
        %dma_start3A_336 = tpu.memref_slice %arg3[%multiple_of3A, %dma_start3A_335] : memref<51200x128xi32, #tpu.memory_space<hbm>> -> memref<16x128xi32, #tpu.memory_space<hbm>>
        tpu.enqueue_dma source(%dma_start3A_336 : memref<16x128xi32, #tpu.memory_space<hbm>>) target(%arg5 : memref<16x128xi32, #tpu.memory_space<vmem>>) target_semaphore(%run_scoped3A : memref<!tpu.dma_semaphore, #tpu.memory_space<semaphore_mem>>)
        %dma_wait3A_337 = arith.constant 0 : i32
        %dma_wait3A_338 = tpu.memref_slice %arg3[%multiple_of3A, %dma_wait3A_337] : memref<51200x128xi32, #tpu.memory_space<hbm>> -> memref<16x128xi32, #tpu.memory_space<hbm>>
        %dma_wait3A_339 = arith.constant 0 : i32
        %dma_wait3A_340 = tpu.memref_slice %arg3[%multiple_of3A, %dma_wait3A_339] : memref<51200x128xi32, #tpu.memory_space<hbm>> -> memref<16x128xi32, #tpu.memory_space<hbm>>
        tpu.wait_dma2 semaphore(%run_scoped3A : memref<!tpu.dma_semaphore, #tpu.memory_space<semaphore_mem>>) src(%dma_wait3A_340 : memref<16x128xi32, #tpu.memory_space<hbm>>) dst(%arg5 : memref<16x128xi32, #tpu.memory_space<vmem>>)
        tpu.yield
      }) : () -> ()
      %dma_start3A = arith.constant 0 : i32
      %dma_start3A_15 = arith.constant 0 : i32
      %dma_start3A_16 = arith.constant 0 : i32
      %dma_start3A_17 = tpu.memref_slice %arg6[%dma_start3A_15, %dma_start3A_16] : memref<2048x32xf32, #tpu.memory_space<vmem>> -> memref<128x32xf32, #tpu.memory_space<vmem>>
      %dma_start3A_18 = arith.constant 0 : i32
      %dma_start3A_19 = tpu.memref_slice %arg5[%dma_start3A, %dma_start3A_18] : memref<16x128xi32, #tpu.memory_space<vmem>> -> memref<1x128xi32, #tpu.memory_space<vmem>>
      %dma_start3A_20 = tpu.memref_squeeze %dma_start3A_19 : memref<1x128xi32, #tpu.memory_space<vmem>> -> memref<128xi32, #tpu.memory_space<vmem>>
      %dma_start3A_21 = arith.constant 0 : i32
      %dma_start3A_22 = arith.constant 0 : i32
      %dma_start3A_23 = tpu.memref_slice %arg2[%dma_start3A_21, %dma_start3A_22] : memref<2662400x32xf32, #tpu.memory_space<hbm>> -> memref<2662400x32xf32, #tpu.memory_space<hbm>>
      tpu.enqueue_indirect_dma source(%dma_start3A_23 : memref<2662400x32xf32, #tpu.memory_space<hbm>>) target(%dma_start3A_17 : memref<128x32xf32, #tpu.memory_space<vmem>>) offsets(%dma_start3A_20 : memref<128xi32, #tpu.memory_space<vmem>>) semaphore(%arg7 : memref<!tpu.dma_semaphore, #tpu.memory_space<semaphore_mem>>)
      %dma_start3A_24 = arith.constant 1 : i32
      %dma_start3A_25 = arith.constant 128 : i32
      %dma_start3A_26 = arith.constant 0 : i32
      %dma_start3A_27 = tpu.memref_slice %arg6[%dma_start3A_25, %dma_start3A_26] : memref<2048x32xf32, #tpu.memory_space<vmem>> -> memref<128x32xf32, #tpu.memory_space<vmem>>
      %dma_start3A_28 = arith.constant 0 : i32
      %dma_start3A_29 = tpu.memref_slice %arg5[%dma_start3A_24, %dma_start3A_28] : memref<16x128xi32, #tpu.memory_space<vmem>> -> memref<1x128xi32, #tpu.memory_space<vmem>>
      %dma_start3A_30 = tpu.memref_squeeze %dma_start3A_29 : memref<1x128xi32, #tpu.memory_space<vmem>> -> memref<128xi32, #tpu.memory_space<vmem>>
      %dma_start3A_31 = arith.constant 0 : i32
      %dma_start3A_32 = arith.constant 0 : i32
      %dma_start3A_33 = tpu.memref_slice %arg2[%dma_start3A_31, %dma_start3A_32] : memref<2662400x32xf32, #tpu.memory_space<hbm>> -> memref<2662400x32xf32, #tpu.memory_space<hbm>>
      tpu.enqueue_indirect_dma source(%dma_start3A_33 : memref<2662400x32xf32, #tpu.memory_space<hbm>>) target(%dma_start3A_27 : memref<128x32xf32, #tpu.memory_space<vmem>>) offsets(%dma_start3A_30 : memref<128xi32, #tpu.memory_space<vmem>>) semaphore(%arg7 : memref<!tpu.dma_semaphore, #tpu.memory_space<semaphore_mem>>)
      %dma_start3A_34 = arith.constant 2 : i32
      %dma_start3A_35 = arith.constant 256 : i32
      %dma_start3A_36 = arith.constant 0 : i32
      %dma_start3A_37 = tpu.memref_slice %arg6[%dma_start3A_35, %dma_start3A_36] : memref<2048x32xf32, #tpu.memory_space<vmem>> -> memref<128x32xf32, #tpu.memory_space<vmem>>
      %dma_start3A_38 = arith.constant 0 : i32
      %dma_start3A_39 = tpu.memref_slice %arg5[%dma_start3A_34, %dma_start3A_38] : memref<16x128xi32, #tpu.memory_space<vmem>> -> memref<1x128xi32, #tpu.memory_space<vmem>>
      %dma_start3A_40 = tpu.memref_squeeze %dma_start3A_39 : memref<1x128xi32, #tpu.memory_space<vmem>> -> memref<128xi32, #tpu.memory_space<vmem>>
      %dma_start3A_41 = arith.constant 0 : i32
      %dma_start3A_42 = arith.constant 0 : i32
      %dma_start3A_43 = tpu.memref_slice %arg2[%dma_start3A_41, %dma_start3A_42] : memref<2662400x32xf32, #tpu.memory_space<hbm>> -> memref<2662400x32xf32, #tpu.memory_space<hbm>>
      tpu.enqueue_indirect_dma source(%dma_start3A_43 : memref<2662400x32xf32, #tpu.memory_space<hbm>>) target(%dma_start3A_37 : memref<128x32xf32, #tpu.memory_space<vmem>>) offsets(%dma_start3A_40 : memref<128xi32, #tpu.memory_space<vmem>>) semaphore(%arg7 : memref<!tpu.dma_semaphore, #tpu.memory_space<semaphore_mem>>)
      %dma_start3A_44 = arith.constant 3 : i32
      %dma_start3A_45 = arith.constant 384 : i32
      %dma_start3A_46 = arith.constant 0 : i32
      %dma_start3A_47 = tpu.memref_slice %arg6[%dma_start3A_45, %dma_start3A_46] : memref<2048x32xf32, #tpu.memory_space<vmem>> -> memref<128x32xf32, #tpu.memory_space<vmem>>
      %dma_start3A_48 = arith.constant 0 : i32
      %dma_start3A_49 = tpu.memref_slice %arg5[%dma_start3A_44, %dma_start3A_48] : memref<16x128xi32, #tpu.memory_space<vmem>> -> memref<1x128xi32, #tpu.memory_space<vmem>>
      %dma_start3A_50 = tpu.memref_squeeze %dma_start3A_49 : memref<1x128xi32, #tpu.memory_space<vmem>> -> memref<128xi32, #tpu.memory_space<vmem>>
      %dma_start3A_51 = arith.constant 0 : i32
      %dma_start3A_52 = arith.constant 0 : i32
      %dma_start3A_53 = tpu.memref_slice %arg2[%dma_start3A_51, %dma_start3A_52] : memref<2662400x32xf32, #tpu.memory_space<hbm>> -> memref<2662400x32xf32, #tpu.memory_space<hbm>>
      tpu.enqueue_indirect_dma source(%dma_start3A_53 : memref<2662400x32xf32, #tpu.memory_space<hbm>>) target(%dma_start3A_47 : memref<128x32xf32, #tpu.memory_space<vmem>>) offsets(%dma_start3A_50 : memref<128xi32, #tpu.memory_space<vmem>>) semaphore(%arg7 : memref<!tpu.dma_semaphore, #tpu.memory_space<semaphore_mem>>)
      %dma_start3A_54 = arith.constant 4 : i32
      %dma_start3A_55 = arith.constant 512 : i32
      %dma_start3A_56 = arith.constant 0 : i32
      %dma_start3A_57 = tpu.memref_slice %arg6[%dma_start3A_55, %dma_start3A_56] : memref<2048x32xf32, #tpu.memory_space<vmem>> -> memref<128x32xf32, #tpu.memory_space<vmem>>
      %dma_start3A_58 = arith.constant 0 : i32
      %dma_start3A_59 = tpu.memref_slice %arg5[%dma_start3A_54, %dma_start3A_58] : memref<16x128xi32, #tpu.memory_space<vmem>> -> memref<1x128xi32, #tpu.memory_space<vmem>>
      %dma_start3A_60 = tpu.memref_squeeze %dma_start3A_59 : memref<1x128xi32, #tpu.memory_space<vmem>> -> memref<128xi32, #tpu.memory_space<vmem>>
      %dma_start3A_61 = arith.constant 0 : i32
      %dma_start3A_62 = arith.constant 0 : i32
      %dma_start3A_63 = tpu.memref_slice %arg2[%dma_start3A_61, %dma_start3A_62] : memref<2662400x32xf32, #tpu.memory_space<hbm>> -> memref<2662400x32xf32, #tpu.memory_space<hbm>>
      tpu.enqueue_indirect_dma source(%dma_start3A_63 : memref<2662400x32xf32, #tpu.memory_space<hbm>>) target(%dma_start3A_57 : memref<128x32xf32, #tpu.memory_space<vmem>>) offsets(%dma_start3A_60 : memref<128xi32, #tpu.memory_space<vmem>>) semaphore(%arg7 : memref<!tpu.dma_semaphore, #tpu.memory_space<semaphore_mem>>)
      %dma_start3A_64 = arith.constant 5 : i32
      %dma_start3A_65 = arith.constant 640 : i32
      %dma_start3A_66 = arith.constant 0 : i32
      %dma_start3A_67 = tpu.memref_slice %arg6[%dma_start3A_65, %dma_start3A_66] : memref<2048x32xf32, #tpu.memory_space<vmem>> -> memref<128x32xf32, #tpu.memory_space<vmem>>
      %dma_start3A_68 = arith.constant 0 : i32
      %dma_start3A_69 = tpu.memref_slice %arg5[%dma_start3A_64, %dma_start3A_68] : memref<16x128xi32, #tpu.memory_space<vmem>> -> memref<1x128xi32, #tpu.memory_space<vmem>>
      %dma_start3A_70 = tpu.memref_squeeze %dma_start3A_69 : memref<1x128xi32, #tpu.memory_space<vmem>> -> memref<128xi32, #tpu.memory_space<vmem>>
      %dma_start3A_71 = arith.constant 0 : i32
      %dma_start3A_72 = arith.constant 0 : i32
      %dma_start3A_73 = tpu.memref_slice %arg2[%dma_start3A_71, %dma_start3A_72] : memref<2662400x32xf32, #tpu.memory_space<hbm>> -> memref<2662400x32xf32, #tpu.memory_space<hbm>>
      tpu.enqueue_indirect_dma source(%dma_start3A_73 : memref<2662400x32xf32, #tpu.memory_space<hbm>>) target(%dma_start3A_67 : memref<128x32xf32, #tpu.memory_space<vmem>>) offsets(%dma_start3A_70 : memref<128xi32, #tpu.memory_space<vmem>>) semaphore(%arg7 : memref<!tpu.dma_semaphore, #tpu.memory_space<semaphore_mem>>)
      %dma_start3A_74 = arith.constant 6 : i32
      %dma_start3A_75 = arith.constant 768 : i32
      %dma_start3A_76 = arith.constant 0 : i32
      %dma_start3A_77 = tpu.memref_slice %arg6[%dma_start3A_75, %dma_start3A_76] : memref<2048x32xf32, #tpu.memory_space<vmem>> -> memref<128x32xf32, #tpu.memory_space<vmem>>
      %dma_start3A_78 = arith.constant 0 : i32
      %dma_start3A_79 = tpu.memref_slice %arg5[%dma_start3A_74, %dma_start3A_78] : memref<16x128xi32, #tpu.memory_space<vmem>> -> memref<1x128xi32, #tpu.memory_space<vmem>>
      %dma_start3A_80 = tpu.memref_squeeze %dma_start3A_79 : memref<1x128xi32, #tpu.memory_space<vmem>> -> memref<128xi32, #tpu.memory_space<vmem>>
      %dma_start3A_81 = arith.constant 0 : i32
      %dma_start3A_82 = arith.constant 0 : i32
      %dma_start3A_83 = tpu.memref_slice %arg2[%dma_start3A_81, %dma_start3A_82] : memref<2662400x32xf32, #tpu.memory_space<hbm>> -> memref<2662400x32xf32, #tpu.memory_space<hbm>>
      tpu.enqueue_indirect_dma source(%dma_start3A_83 : memref<2662400x32xf32, #tpu.memory_space<hbm>>) target(%dma_start3A_77 : memref<128x32xf32, #tpu.memory_space<vmem>>) offsets(%dma_start3A_80 : memref<128xi32, #tpu.memory_space<vmem>>) semaphore(%arg7 : memref<!tpu.dma_semaphore, #tpu.memory_space<semaphore_mem>>)
      %dma_start3A_84 = arith.constant 7 : i32
      %dma_start3A_85 = arith.constant 896 : i32
      %dma_start3A_86 = arith.constant 0 : i32
      %dma_start3A_87 = tpu.memref_slice %arg6[%dma_start3A_85, %dma_start3A_86] : memref<2048x32xf32, #tpu.memory_space<vmem>> -> memref<128x32xf32, #tpu.memory_space<vmem>>
      %dma_start3A_88 = arith.constant 0 : i32
      %dma_start3A_89 = tpu.memref_slice %arg5[%dma_start3A_84, %dma_start3A_88] : memref<16x128xi32, #tpu.memory_space<vmem>> -> memref<1x128xi32, #tpu.memory_space<vmem>>
      %dma_start3A_90 = tpu.memref_squeeze %dma_start3A_89 : memref<1x128xi32, #tpu.memory_space<vmem>> -> memref<128xi32, #tpu.memory_space<vmem>>
      %dma_start3A_91 = arith.constant 0 : i32
      %dma_start3A_92 = arith.constant 0 : i32
      %dma_start3A_93 = tpu.memref_slice %arg2[%dma_start3A_91, %dma_start3A_92] : memref<2662400x32xf32, #tpu.memory_space<hbm>> -> memref<2662400x32xf32, #tpu.memory_space<hbm>>
      tpu.enqueue_indirect_dma source(%dma_start3A_93 : memref<2662400x32xf32, #tpu.memory_space<hbm>>) target(%dma_start3A_87 : memref<128x32xf32, #tpu.memory_space<vmem>>) offsets(%dma_start3A_90 : memref<128xi32, #tpu.memory_space<vmem>>) semaphore(%arg7 : memref<!tpu.dma_semaphore, #tpu.memory_space<semaphore_mem>>)
      %dma_start3A_94 = arith.constant 8 : i32
      %dma_start3A_95 = arith.constant 1024 : i32
      %dma_start3A_96 = arith.constant 0 : i32
      %dma_start3A_97 = tpu.memref_slice %arg6[%dma_start3A_95, %dma_start3A_96] : memref<2048x32xf32, #tpu.memory_space<vmem>> -> memref<128x32xf32, #tpu.memory_space<vmem>>
      %dma_start3A_98 = arith.constant 0 : i32
      %dma_start3A_99 = tpu.memref_slice %arg5[%dma_start3A_94, %dma_start3A_98] : memref<16x128xi32, #tpu.memory_space<vmem>> -> memref<1x128xi32, #tpu.memory_space<vmem>>
      %dma_start3A_100 = tpu.memref_squeeze %dma_start3A_99 : memref<1x128xi32, #tpu.memory_space<vmem>> -> memref<128xi32, #tpu.memory_space<vmem>>
      %dma_start3A_101 = arith.constant 0 : i32
      %dma_start3A_102 = arith.constant 0 : i32
      %dma_start3A_103 = tpu.memref_slice %arg2[%dma_start3A_101, %dma_start3A_102] : memref<2662400x32xf32, #tpu.memory_space<hbm>> -> memref<2662400x32xf32, #tpu.memory_space<hbm>>
      tpu.enqueue_indirect_dma source(%dma_start3A_103 : memref<2662400x32xf32, #tpu.memory_space<hbm>>) target(%dma_start3A_97 : memref<128x32xf32, #tpu.memory_space<vmem>>) offsets(%dma_start3A_100 : memref<128xi32, #tpu.memory_space<vmem>>) semaphore(%arg7 : memref<!tpu.dma_semaphore, #tpu.memory_space<semaphore_mem>>)
      %dma_start3A_104 = arith.constant 9 : i32
      %dma_start3A_105 = arith.constant 1152 : i32
      %dma_start3A_106 = arith.constant 0 : i32
      %dma_start3A_107 = tpu.memref_slice %arg6[%dma_start3A_105, %dma_start3A_106] : memref<2048x32xf32, #tpu.memory_space<vmem>> -> memref<128x32xf32, #tpu.memory_space<vmem>>
      %dma_start3A_108 = arith.constant 0 : i32
      %dma_start3A_109 = tpu.memref_slice %arg5[%dma_start3A_104, %dma_start3A_108] : memref<16x128xi32, #tpu.memory_space<vmem>> -> memref<1x128xi32, #tpu.memory_space<vmem>>
      %dma_start3A_110 = tpu.memref_squeeze %dma_start3A_109 : memref<1x128xi32, #tpu.memory_space<vmem>> -> memref<128xi32, #tpu.memory_space<vmem>>
      %dma_start3A_111 = arith.constant 0 : i32
      %dma_start3A_112 = arith.constant 0 : i32
      %dma_start3A_113 = tpu.memref_slice %arg2[%dma_start3A_111, %dma_start3A_112] : memref<2662400x32xf32, #tpu.memory_space<hbm>> -> memref<2662400x32xf32, #tpu.memory_space<hbm>>
      tpu.enqueue_indirect_dma source(%dma_start3A_113 : memref<2662400x32xf32, #tpu.memory_space<hbm>>) target(%dma_start3A_107 : memref<128x32xf32, #tpu.memory_space<vmem>>) offsets(%dma_start3A_110 : memref<128xi32, #tpu.memory_space<vmem>>) semaphore(%arg7 : memref<!tpu.dma_semaphore, #tpu.memory_space<semaphore_mem>>)
      %dma_start3A_114 = arith.constant 10 : i32
      %dma_start3A_115 = arith.constant 1280 : i32
      %dma_start3A_116 = arith.constant 0 : i32
      %dma_start3A_117 = tpu.memref_slice %arg6[%dma_start3A_115, %dma_start3A_116] : memref<2048x32xf32, #tpu.memory_space<vmem>> -> memref<128x32xf32, #tpu.memory_space<vmem>>
      %dma_start3A_118 = arith.constant 0 : i32
      %dma_start3A_119 = tpu.memref_slice %arg5[%dma_start3A_114, %dma_start3A_118] : memref<16x128xi32, #tpu.memory_space<vmem>> -> memref<1x128xi32, #tpu.memory_space<vmem>>
      %dma_start3A_120 = tpu.memref_squeeze %dma_start3A_119 : memref<1x128xi32, #tpu.memory_space<vmem>> -> memref<128xi32, #tpu.memory_space<vmem>>
      %dma_start3A_121 = arith.constant 0 : i32
      %dma_start3A_122 = arith.constant 0 : i32
      %dma_start3A_123 = tpu.memref_slice %arg2[%dma_start3A_121, %dma_start3A_122] : memref<2662400x32xf32, #tpu.memory_space<hbm>> -> memref<2662400x32xf32, #tpu.memory_space<hbm>>
      tpu.enqueue_indirect_dma source(%dma_start3A_123 : memref<2662400x32xf32, #tpu.memory_space<hbm>>) target(%dma_start3A_117 : memref<128x32xf32, #tpu.memory_space<vmem>>) offsets(%dma_start3A_120 : memref<128xi32, #tpu.memory_space<vmem>>) semaphore(%arg7 : memref<!tpu.dma_semaphore, #tpu.memory_space<semaphore_mem>>)
      %dma_start3A_124 = arith.constant 11 : i32
      %dma_start3A_125 = arith.constant 1408 : i32
      %dma_start3A_126 = arith.constant 0 : i32
      %dma_start3A_127 = tpu.memref_slice %arg6[%dma_start3A_125, %dma_start3A_126] : memref<2048x32xf32, #tpu.memory_space<vmem>> -> memref<128x32xf32, #tpu.memory_space<vmem>>
      %dma_start3A_128 = arith.constant 0 : i32
      %dma_start3A_129 = tpu.memref_slice %arg5[%dma_start3A_124, %dma_start3A_128] : memref<16x128xi32, #tpu.memory_space<vmem>> -> memref<1x128xi32, #tpu.memory_space<vmem>>
      %dma_start3A_130 = tpu.memref_squeeze %dma_start3A_129 : memref<1x128xi32, #tpu.memory_space<vmem>> -> memref<128xi32, #tpu.memory_space<vmem>>
      %dma_start3A_131 = arith.constant 0 : i32
      %dma_start3A_132 = arith.constant 0 : i32
      %dma_start3A_133 = tpu.memref_slice %arg2[%dma_start3A_131, %dma_start3A_132] : memref<2662400x32xf32, #tpu.memory_space<hbm>> -> memref<2662400x32xf32, #tpu.memory_space<hbm>>
      tpu.enqueue_indirect_dma source(%dma_start3A_133 : memref<2662400x32xf32, #tpu.memory_space<hbm>>) target(%dma_start3A_127 : memref<128x32xf32, #tpu.memory_space<vmem>>) offsets(%dma_start3A_130 : memref<128xi32, #tpu.memory_space<vmem>>) semaphore(%arg7 : memref<!tpu.dma_semaphore, #tpu.memory_space<semaphore_mem>>)
      %dma_start3A_134 = arith.constant 12 : i32
      %dma_start3A_135 = arith.constant 1536 : i32
      %dma_start3A_136 = arith.constant 0 : i32
      %dma_start3A_137 = tpu.memref_slice %arg6[%dma_start3A_135, %dma_start3A_136] : memref<2048x32xf32, #tpu.memory_space<vmem>> -> memref<128x32xf32, #tpu.memory_space<vmem>>
      %dma_start3A_138 = arith.constant 0 : i32
      %dma_start3A_139 = tpu.memref_slice %arg5[%dma_start3A_134, %dma_start3A_138] : memref<16x128xi32, #tpu.memory_space<vmem>> -> memref<1x128xi32, #tpu.memory_space<vmem>>
      %dma_start3A_140 = tpu.memref_squeeze %dma_start3A_139 : memref<1x128xi32, #tpu.memory_space<vmem>> -> memref<128xi32, #tpu.memory_space<vmem>>
      %dma_start3A_141 = arith.constant 0 : i32
      %dma_start3A_142 = arith.constant 0 : i32
      %dma_start3A_143 = tpu.memref_slice %arg2[%dma_start3A_141, %dma_start3A_142] : memref<2662400x32xf32, #tpu.memory_space<hbm>> -> memref<2662400x32xf32, #tpu.memory_space<hbm>>
      tpu.enqueue_indirect_dma source(%dma_start3A_143 : memref<2662400x32xf32, #tpu.memory_space<hbm>>) target(%dma_start3A_137 : memref<128x32xf32, #tpu.memory_space<vmem>>) offsets(%dma_start3A_140 : memref<128xi32, #tpu.memory_space<vmem>>) semaphore(%arg7 : memref<!tpu.dma_semaphore, #tpu.memory_space<semaphore_mem>>)
      %dma_start3A_144 = arith.constant 13 : i32
      %dma_start3A_145 = arith.constant 1664 : i32
      %dma_start3A_146 = arith.constant 0 : i32
      %dma_start3A_147 = tpu.memref_slice %arg6[%dma_start3A_145, %dma_start3A_146] : memref<2048x32xf32, #tpu.memory_space<vmem>> -> memref<128x32xf32, #tpu.memory_space<vmem>>
      %dma_start3A_148 = arith.constant 0 : i32
      %dma_start3A_149 = tpu.memref_slice %arg5[%dma_start3A_144, %dma_start3A_148] : memref<16x128xi32, #tpu.memory_space<vmem>> -> memref<1x128xi32, #tpu.memory_space<vmem>>
      %dma_start3A_150 = tpu.memref_squeeze %dma_start3A_149 : memref<1x128xi32, #tpu.memory_space<vmem>> -> memref<128xi32, #tpu.memory_space<vmem>>
      %dma_start3A_151 = arith.constant 0 : i32
      %dma_start3A_152 = arith.constant 0 : i32
      %dma_start3A_153 = tpu.memref_slice %arg2[%dma_start3A_151, %dma_start3A_152] : memref<2662400x32xf32, #tpu.memory_space<hbm>> -> memref<2662400x32xf32, #tpu.memory_space<hbm>>
      tpu.enqueue_indirect_dma source(%dma_start3A_153 : memref<2662400x32xf32, #tpu.memory_space<hbm>>) target(%dma_start3A_147 : memref<128x32xf32, #tpu.memory_space<vmem>>) offsets(%dma_start3A_150 : memref<128xi32, #tpu.memory_space<vmem>>) semaphore(%arg7 : memref<!tpu.dma_semaphore, #tpu.memory_space<semaphore_mem>>)
      %dma_start3A_154 = arith.constant 14 : i32
      %dma_start3A_155 = arith.constant 1792 : i32
      %dma_start3A_156 = arith.constant 0 : i32
      %dma_start3A_157 = tpu.memref_slice %arg6[%dma_start3A_155, %dma_start3A_156] : memref<2048x32xf32, #tpu.memory_space<vmem>> -> memref<128x32xf32, #tpu.memory_space<vmem>>
      %dma_start3A_158 = arith.constant 0 : i32
      %dma_start3A_159 = tpu.memref_slice %arg5[%dma_start3A_154, %dma_start3A_158] : memref<16x128xi32, #tpu.memory_space<vmem>> -> memref<1x128xi32, #tpu.memory_space<vmem>>
      %dma_start3A_160 = tpu.memref_squeeze %dma_start3A_159 : memref<1x128xi32, #tpu.memory_space<vmem>> -> memref<128xi32, #tpu.memory_space<vmem>>
      %dma_start3A_161 = arith.constant 0 : i32
      %dma_start3A_162 = arith.constant 0 : i32
      %dma_start3A_163 = tpu.memref_slice %arg2[%dma_start3A_161, %dma_start3A_162] : memref<2662400x32xf32, #tpu.memory_space<hbm>> -> memref<2662400x32xf32, #tpu.memory_space<hbm>>
      tpu.enqueue_indirect_dma source(%dma_start3A_163 : memref<2662400x32xf32, #tpu.memory_space<hbm>>) target(%dma_start3A_157 : memref<128x32xf32, #tpu.memory_space<vmem>>) offsets(%dma_start3A_160 : memref<128xi32, #tpu.memory_space<vmem>>) semaphore(%arg7 : memref<!tpu.dma_semaphore, #tpu.memory_space<semaphore_mem>>)
      %dma_start3A_164 = arith.constant 15 : i32
      %dma_start3A_165 = arith.constant 1920 : i32
      %dma_start3A_166 = arith.constant 0 : i32
      %dma_start3A_167 = tpu.memref_slice %arg6[%dma_start3A_165, %dma_start3A_166] : memref<2048x32xf32, #tpu.memory_space<vmem>> -> memref<128x32xf32, #tpu.memory_space<vmem>>
      %dma_start3A_168 = arith.constant 0 : i32
      %dma_start3A_169 = tpu.memref_slice %arg5[%dma_start3A_164, %dma_start3A_168] : memref<16x128xi32, #tpu.memory_space<vmem>> -> memref<1x128xi32, #tpu.memory_space<vmem>>
      %dma_start3A_170 = tpu.memref_squeeze %dma_start3A_169 : memref<1x128xi32, #tpu.memory_space<vmem>> -> memref<128xi32, #tpu.memory_space<vmem>>
      %dma_start3A_171 = arith.constant 0 : i32
      %dma_start3A_172 = arith.constant 0 : i32
      %dma_start3A_173 = tpu.memref_slice %arg2[%dma_start3A_171, %dma_start3A_172] : memref<2662400x32xf32, #tpu.memory_space<hbm>> -> memref<2662400x32xf32, #tpu.memory_space<hbm>>
      tpu.enqueue_indirect_dma source(%dma_start3A_173 : memref<2662400x32xf32, #tpu.memory_space<hbm>>) target(%dma_start3A_167 : memref<128x32xf32, #tpu.memory_space<vmem>>) offsets(%dma_start3A_170 : memref<128xi32, #tpu.memory_space<vmem>>) semaphore(%arg7 : memref<!tpu.dma_semaphore, #tpu.memory_space<semaphore_mem>>)
      %dma_wait3A = arith.constant 0 : i32
      %dma_wait3A_174 = arith.constant 0 : i32
      %dma_wait3A_175 = arith.constant 0 : i32
      %dma_wait3A_176 = tpu.memref_slice %arg6[%dma_wait3A_174, %dma_wait3A_175] : memref<2048x32xf32, #tpu.memory_space<vmem>> -> memref<128x32xf32, #tpu.memory_space<vmem>>
      %dma_wait3A_177 = arith.constant 0 : i32
      %dma_wait3A_178 = tpu.memref_slice %arg5[%dma_wait3A, %dma_wait3A_177] : memref<16x128xi32, #tpu.memory_space<vmem>> -> memref<1x128xi32, #tpu.memory_space<vmem>>
      %dma_wait3A_179 = tpu.memref_squeeze %dma_wait3A_178 : memref<1x128xi32, #tpu.memory_space<vmem>> -> memref<128xi32, #tpu.memory_space<vmem>>
      %dma_wait3A_180 = arith.constant 0 : i32
      %dma_wait3A_181 = arith.constant 0 : i32
      %dma_wait3A_182 = tpu.memref_slice %arg2[%dma_wait3A_180, %dma_wait3A_181] : memref<2662400x32xf32, #tpu.memory_space<hbm>> -> memref<2662400x32xf32, #tpu.memory_space<hbm>>
      tpu.wait_indirect_dma semaphore(%arg7 : memref<!tpu.dma_semaphore, #tpu.memory_space<semaphore_mem>>) src(%dma_wait3A_182 : memref<2662400x32xf32, #tpu.memory_space<hbm>>) dst(%dma_wait3A_176 : memref<128x32xf32, #tpu.memory_space<vmem>>)
      %dma_wait3A_183 = arith.constant 1 : i32
      %dma_wait3A_184 = arith.constant 128 : i32
      %dma_wait3A_185 = arith.constant 0 : i32
      %dma_wait3A_186 = tpu.memref_slice %arg6[%dma_wait3A_184, %dma_wait3A_185] : memref<2048x32xf32, #tpu.memory_space<vmem>> -> memref<128x32xf32, #tpu.memory_space<vmem>>
      %dma_wait3A_187 = arith.constant 0 : i32
      %dma_wait3A_188 = tpu.memref_slice %arg5[%dma_wait3A_183, %dma_wait3A_187] : memref<16x128xi32, #tpu.memory_space<vmem>> -> memref<1x128xi32, #tpu.memory_space<vmem>>
      %dma_wait3A_189 = tpu.memref_squeeze %dma_wait3A_188 : memref<1x128xi32, #tpu.memory_space<vmem>> -> memref<128xi32, #tpu.memory_space<vmem>>
      %dma_wait3A_190 = arith.constant 0 : i32
      %dma_wait3A_191 = arith.constant 0 : i32
      %dma_wait3A_192 = tpu.memref_slice %arg2[%dma_wait3A_190, %dma_wait3A_191] : memref<2662400x32xf32, #tpu.memory_space<hbm>> -> memref<2662400x32xf32, #tpu.memory_space<hbm>>
      tpu.wait_indirect_dma semaphore(%arg7 : memref<!tpu.dma_semaphore, #tpu.memory_space<semaphore_mem>>) src(%dma_wait3A_192 : memref<2662400x32xf32, #tpu.memory_space<hbm>>) dst(%dma_wait3A_186 : memref<128x32xf32, #tpu.memory_space<vmem>>)
      %dma_wait3A_193 = arith.constant 2 : i32
      %dma_wait3A_194 = arith.constant 256 : i32
      %dma_wait3A_195 = arith.constant 0 : i32
      %dma_wait3A_196 = tpu.memref_slice %arg6[%dma_wait3A_194, %dma_wait3A_195] : memref<2048x32xf32, #tpu.memory_space<vmem>> -> memref<128x32xf32, #tpu.memory_space<vmem>>
      %dma_wait3A_197 = arith.constant 0 : i32
      %dma_wait3A_198 = tpu.memref_slice %arg5[%dma_wait3A_193, %dma_wait3A_197] : memref<16x128xi32, #tpu.memory_space<vmem>> -> memref<1x128xi32, #tpu.memory_space<vmem>>
      %dma_wait3A_199 = tpu.memref_squeeze %dma_wait3A_198 : memref<1x128xi32, #tpu.memory_space<vmem>> -> memref<128xi32, #tpu.memory_space<vmem>>
      %dma_wait3A_200 = arith.constant 0 : i32
      %dma_wait3A_201 = arith.constant 0 : i32
      %dma_wait3A_202 = tpu.memref_slice %arg2[%dma_wait3A_200, %dma_wait3A_201] : memref<2662400x32xf32, #tpu.memory_space<hbm>> -> memref<2662400x32xf32, #tpu.memory_space<hbm>>
      tpu.wait_indirect_dma semaphore(%arg7 : memref<!tpu.dma_semaphore, #tpu.memory_space<semaphore_mem>>) src(%dma_wait3A_202 : memref<2662400x32xf32, #tpu.memory_space<hbm>>) dst(%dma_wait3A_196 : memref<128x32xf32, #tpu.memory_space<vmem>>)
      %dma_wait3A_203 = arith.constant 3 : i32
      %dma_wait3A_204 = arith.constant 384 : i32
      %dma_wait3A_205 = arith.constant 0 : i32
      %dma_wait3A_206 = tpu.memref_slice %arg6[%dma_wait3A_204, %dma_wait3A_205] : memref<2048x32xf32, #tpu.memory_space<vmem>> -> memref<128x32xf32, #tpu.memory_space<vmem>>
      %dma_wait3A_207 = arith.constant 0 : i32
      %dma_wait3A_208 = tpu.memref_slice %arg5[%dma_wait3A_203, %dma_wait3A_207] : memref<16x128xi32, #tpu.memory_space<vmem>> -> memref<1x128xi32, #tpu.memory_space<vmem>>
      %dma_wait3A_209 = tpu.memref_squeeze %dma_wait3A_208 : memref<1x128xi32, #tpu.memory_space<vmem>> -> memref<128xi32, #tpu.memory_space<vmem>>
      %dma_wait3A_210 = arith.constant 0 : i32
      %dma_wait3A_211 = arith.constant 0 : i32
      %dma_wait3A_212 = tpu.memref_slice %arg2[%dma_wait3A_210, %dma_wait3A_211] : memref<2662400x32xf32, #tpu.memory_space<hbm>> -> memref<2662400x32xf32, #tpu.memory_space<hbm>>
      tpu.wait_indirect_dma semaphore(%arg7 : memref<!tpu.dma_semaphore, #tpu.memory_space<semaphore_mem>>) src(%dma_wait3A_212 : memref<2662400x32xf32, #tpu.memory_space<hbm>>) dst(%dma_wait3A_206 : memref<128x32xf32, #tpu.memory_space<vmem>>)
      %dma_wait3A_213 = arith.constant 4 : i32
      %dma_wait3A_214 = arith.constant 512 : i32
      %dma_wait3A_215 = arith.constant 0 : i32
      %dma_wait3A_216 = tpu.memref_slice %arg6[%dma_wait3A_214, %dma_wait3A_215] : memref<2048x32xf32, #tpu.memory_space<vmem>> -> memref<128x32xf32, #tpu.memory_space<vmem>>
      %dma_wait3A_217 = arith.constant 0 : i32
      %dma_wait3A_218 = tpu.memref_slice %arg5[%dma_wait3A_213, %dma_wait3A_217] : memref<16x128xi32, #tpu.memory_space<vmem>> -> memref<1x128xi32, #tpu.memory_space<vmem>>
      %dma_wait3A_219 = tpu.memref_squeeze %dma_wait3A_218 : memref<1x128xi32, #tpu.memory_space<vmem>> -> memref<128xi32, #tpu.memory_space<vmem>>
      %dma_wait3A_220 = arith.constant 0 : i32
      %dma_wait3A_221 = arith.constant 0 : i32
      %dma_wait3A_222 = tpu.memref_slice %arg2[%dma_wait3A_220, %dma_wait3A_221] : memref<2662400x32xf32, #tpu.memory_space<hbm>> -> memref<2662400x32xf32, #tpu.memory_space<hbm>>
      tpu.wait_indirect_dma semaphore(%arg7 : memref<!tpu.dma_semaphore, #tpu.memory_space<semaphore_mem>>) src(%dma_wait3A_222 : memref<2662400x32xf32, #tpu.memory_space<hbm>>) dst(%dma_wait3A_216 : memref<128x32xf32, #tpu.memory_space<vmem>>)
      %dma_wait3A_223 = arith.constant 5 : i32
      %dma_wait3A_224 = arith.constant 640 : i32
      %dma_wait3A_225 = arith.constant 0 : i32
      %dma_wait3A_226 = tpu.memref_slice %arg6[%dma_wait3A_224, %dma_wait3A_225] : memref<2048x32xf32, #tpu.memory_space<vmem>> -> memref<128x32xf32, #tpu.memory_space<vmem>>
      %dma_wait3A_227 = arith.constant 0 : i32
      %dma_wait3A_228 = tpu.memref_slice %arg5[%dma_wait3A_223, %dma_wait3A_227] : memref<16x128xi32, #tpu.memory_space<vmem>> -> memref<1x128xi32, #tpu.memory_space<vmem>>
      %dma_wait3A_229 = tpu.memref_squeeze %dma_wait3A_228 : memref<1x128xi32, #tpu.memory_space<vmem>> -> memref<128xi32, #tpu.memory_space<vmem>>
      %dma_wait3A_230 = arith.constant 0 : i32
      %dma_wait3A_231 = arith.constant 0 : i32
      %dma_wait3A_232 = tpu.memref_slice %arg2[%dma_wait3A_230, %dma_wait3A_231] : memref<2662400x32xf32, #tpu.memory_space<hbm>> -> memref<2662400x32xf32, #tpu.memory_space<hbm>>
      tpu.wait_indirect_dma semaphore(%arg7 : memref<!tpu.dma_semaphore, #tpu.memory_space<semaphore_mem>>) src(%dma_wait3A_232 : memref<2662400x32xf32, #tpu.memory_space<hbm>>) dst(%dma_wait3A_226 : memref<128x32xf32, #tpu.memory_space<vmem>>)
      %dma_wait3A_233 = arith.constant 6 : i32
      %dma_wait3A_234 = arith.constant 768 : i32
      %dma_wait3A_235 = arith.constant 0 : i32
      %dma_wait3A_236 = tpu.memref_slice %arg6[%dma_wait3A_234, %dma_wait3A_235] : memref<2048x32xf32, #tpu.memory_space<vmem>> -> memref<128x32xf32, #tpu.memory_space<vmem>>
      %dma_wait3A_237 = arith.constant 0 : i32
      %dma_wait3A_238 = tpu.memref_slice %arg5[%dma_wait3A_233, %dma_wait3A_237] : memref<16x128xi32, #tpu.memory_space<vmem>> -> memref<1x128xi32, #tpu.memory_space<vmem>>
      %dma_wait3A_239 = tpu.memref_squeeze %dma_wait3A_238 : memref<1x128xi32, #tpu.memory_space<vmem>> -> memref<128xi32, #tpu.memory_space<vmem>>
      %dma_wait3A_240 = arith.constant 0 : i32
      %dma_wait3A_241 = arith.constant 0 : i32
      %dma_wait3A_242 = tpu.memref_slice %arg2[%dma_wait3A_240, %dma_wait3A_241] : memref<2662400x32xf32, #tpu.memory_space<hbm>> -> memref<2662400x32xf32, #tpu.memory_space<hbm>>
      tpu.wait_indirect_dma semaphore(%arg7 : memref<!tpu.dma_semaphore, #tpu.memory_space<semaphore_mem>>) src(%dma_wait3A_242 : memref<2662400x32xf32, #tpu.memory_space<hbm>>) dst(%dma_wait3A_236 : memref<128x32xf32, #tpu.memory_space<vmem>>)
      %dma_wait3A_243 = arith.constant 7 : i32
      %dma_wait3A_244 = arith.constant 896 : i32
      %dma_wait3A_245 = arith.constant 0 : i32
      %dma_wait3A_246 = tpu.memref_slice %arg6[%dma_wait3A_244, %dma_wait3A_245] : memref<2048x32xf32, #tpu.memory_space<vmem>> -> memref<128x32xf32, #tpu.memory_space<vmem>>
      %dma_wait3A_247 = arith.constant 0 : i32
      %dma_wait3A_248 = tpu.memref_slice %arg5[%dma_wait3A_243, %dma_wait3A_247] : memref<16x128xi32, #tpu.memory_space<vmem>> -> memref<1x128xi32, #tpu.memory_space<vmem>>
      %dma_wait3A_249 = tpu.memref_squeeze %dma_wait3A_248 : memref<1x128xi32, #tpu.memory_space<vmem>> -> memref<128xi32, #tpu.memory_space<vmem>>
      %dma_wait3A_250 = arith.constant 0 : i32
      %dma_wait3A_251 = arith.constant 0 : i32
      %dma_wait3A_252 = tpu.memref_slice %arg2[%dma_wait3A_250, %dma_wait3A_251] : memref<2662400x32xf32, #tpu.memory_space<hbm>> -> memref<2662400x32xf32, #tpu.memory_space<hbm>>
      tpu.wait_indirect_dma semaphore(%arg7 : memref<!tpu.dma_semaphore, #tpu.memory_space<semaphore_mem>>) src(%dma_wait3A_252 : memref<2662400x32xf32, #tpu.memory_space<hbm>>) dst(%dma_wait3A_246 : memref<128x32xf32, #tpu.memory_space<vmem>>)
      %dma_wait3A_253 = arith.constant 8 : i32
      %dma_wait3A_254 = arith.constant 1024 : i32
      %dma_wait3A_255 = arith.constant 0 : i32
      %dma_wait3A_256 = tpu.memref_slice %arg6[%dma_wait3A_254, %dma_wait3A_255] : memref<2048x32xf32, #tpu.memory_space<vmem>> -> memref<128x32xf32, #tpu.memory_space<vmem>>
      %dma_wait3A_257 = arith.constant 0 : i32
      %dma_wait3A_258 = tpu.memref_slice %arg5[%dma_wait3A_253, %dma_wait3A_257] : memref<16x128xi32, #tpu.memory_space<vmem>> -> memref<1x128xi32, #tpu.memory_space<vmem>>
      %dma_wait3A_259 = tpu.memref_squeeze %dma_wait3A_258 : memref<1x128xi32, #tpu.memory_space<vmem>> -> memref<128xi32, #tpu.memory_space<vmem>>
      %dma_wait3A_260 = arith.constant 0 : i32
      %dma_wait3A_261 = arith.constant 0 : i32
      %dma_wait3A_262 = tpu.memref_slice %arg2[%dma_wait3A_260, %dma_wait3A_261] : memref<2662400x32xf32, #tpu.memory_space<hbm>> -> memref<2662400x32xf32, #tpu.memory_space<hbm>>
      tpu.wait_indirect_dma semaphore(%arg7 : memref<!tpu.dma_semaphore, #tpu.memory_space<semaphore_mem>>) src(%dma_wait3A_262 : memref<2662400x32xf32, #tpu.memory_space<hbm>>) dst(%dma_wait3A_256 : memref<128x32xf32, #tpu.memory_space<vmem>>)
      %dma_wait3A_263 = arith.constant 9 : i32
      %dma_wait3A_264 = arith.constant 1152 : i32
      %dma_wait3A_265 = arith.constant 0 : i32
      %dma_wait3A_266 = tpu.memref_slice %arg6[%dma_wait3A_264, %dma_wait3A_265] : memref<2048x32xf32, #tpu.memory_space<vmem>> -> memref<128x32xf32, #tpu.memory_space<vmem>>
      %dma_wait3A_267 = arith.constant 0 : i32
      %dma_wait3A_268 = tpu.memref_slice %arg5[%dma_wait3A_263, %dma_wait3A_267] : memref<16x128xi32, #tpu.memory_space<vmem>> -> memref<1x128xi32, #tpu.memory_space<vmem>>
      %dma_wait3A_269 = tpu.memref_squeeze %dma_wait3A_268 : memref<1x128xi32, #tpu.memory_space<vmem>> -> memref<128xi32, #tpu.memory_space<vmem>>
      %dma_wait3A_270 = arith.constant 0 : i32
      %dma_wait3A_271 = arith.constant 0 : i32
      %dma_wait3A_272 = tpu.memref_slice %arg2[%dma_wait3A_270, %dma_wait3A_271] : memref<2662400x32xf32, #tpu.memory_space<hbm>> -> memref<2662400x32xf32, #tpu.memory_space<hbm>>
      tpu.wait_indirect_dma semaphore(%arg7 : memref<!tpu.dma_semaphore, #tpu.memory_space<semaphore_mem>>) src(%dma_wait3A_272 : memref<2662400x32xf32, #tpu.memory_space<hbm>>) dst(%dma_wait3A_266 : memref<128x32xf32, #tpu.memory_space<vmem>>)
      %dma_wait3A_273 = arith.constant 10 : i32
      %dma_wait3A_274 = arith.constant 1280 : i32
      %dma_wait3A_275 = arith.constant 0 : i32
      %dma_wait3A_276 = tpu.memref_slice %arg6[%dma_wait3A_274, %dma_wait3A_275] : memref<2048x32xf32, #tpu.memory_space<vmem>> -> memref<128x32xf32, #tpu.memory_space<vmem>>
      %dma_wait3A_277 = arith.constant 0 : i32
      %dma_wait3A_278 = tpu.memref_slice %arg5[%dma_wait3A_273, %dma_wait3A_277] : memref<16x128xi32, #tpu.memory_space<vmem>> -> memref<1x128xi32, #tpu.memory_space<vmem>>
      %dma_wait3A_279 = tpu.memref_squeeze %dma_wait3A_278 : memref<1x128xi32, #tpu.memory_space<vmem>> -> memref<128xi32, #tpu.memory_space<vmem>>
      %dma_wait3A_280 = arith.constant 0 : i32
      %dma_wait3A_281 = arith.constant 0 : i32
      %dma_wait3A_282 = tpu.memref_slice %arg2[%dma_wait3A_280, %dma_wait3A_281] : memref<2662400x32xf32, #tpu.memory_space<hbm>> -> memref<2662400x32xf32, #tpu.memory_space<hbm>>
      tpu.wait_indirect_dma semaphore(%arg7 : memref<!tpu.dma_semaphore, #tpu.memory_space<semaphore_mem>>) src(%dma_wait3A_282 : memref<2662400x32xf32, #tpu.memory_space<hbm>>) dst(%dma_wait3A_276 : memref<128x32xf32, #tpu.memory_space<vmem>>)
      %dma_wait3A_283 = arith.constant 11 : i32
      %dma_wait3A_284 = arith.constant 1408 : i32
      %dma_wait3A_285 = arith.constant 0 : i32
      %dma_wait3A_286 = tpu.memref_slice %arg6[%dma_wait3A_284, %dma_wait3A_285] : memref<2048x32xf32, #tpu.memory_space<vmem>> -> memref<128x32xf32, #tpu.memory_space<vmem>>
      %dma_wait3A_287 = arith.constant 0 : i32
      %dma_wait3A_288 = tpu.memref_slice %arg5[%dma_wait3A_283, %dma_wait3A_287] : memref<16x128xi32, #tpu.memory_space<vmem>> -> memref<1x128xi32, #tpu.memory_space<vmem>>
      %dma_wait3A_289 = tpu.memref_squeeze %dma_wait3A_288 : memref<1x128xi32, #tpu.memory_space<vmem>> -> memref<128xi32, #tpu.memory_space<vmem>>
      %dma_wait3A_290 = arith.constant 0 : i32
      %dma_wait3A_291 = arith.constant 0 : i32
      %dma_wait3A_292 = tpu.memref_slice %arg2[%dma_wait3A_290, %dma_wait3A_291] : memref<2662400x32xf32, #tpu.memory_space<hbm>> -> memref<2662400x32xf32, #tpu.memory_space<hbm>>
      tpu.wait_indirect_dma semaphore(%arg7 : memref<!tpu.dma_semaphore, #tpu.memory_space<semaphore_mem>>) src(%dma_wait3A_292 : memref<2662400x32xf32, #tpu.memory_space<hbm>>) dst(%dma_wait3A_286 : memref<128x32xf32, #tpu.memory_space<vmem>>)
      %dma_wait3A_293 = arith.constant 12 : i32
      %dma_wait3A_294 = arith.constant 1536 : i32
      %dma_wait3A_295 = arith.constant 0 : i32
      %dma_wait3A_296 = tpu.memref_slice %arg6[%dma_wait3A_294, %dma_wait3A_295] : memref<2048x32xf32, #tpu.memory_space<vmem>> -> memref<128x32xf32, #tpu.memory_space<vmem>>
      %dma_wait3A_297 = arith.constant 0 : i32
      %dma_wait3A_298 = tpu.memref_slice %arg5[%dma_wait3A_293, %dma_wait3A_297] : memref<16x128xi32, #tpu.memory_space<vmem>> -> memref<1x128xi32, #tpu.memory_space<vmem>>
      %dma_wait3A_299 = tpu.memref_squeeze %dma_wait3A_298 : memref<1x128xi32, #tpu.memory_space<vmem>> -> memref<128xi32, #tpu.memory_space<vmem>>
      %dma_wait3A_300 = arith.constant 0 : i32
      %dma_wait3A_301 = arith.constant 0 : i32
      %dma_wait3A_302 = tpu.memref_slice %arg2[%dma_wait3A_300, %dma_wait3A_301] : memref<2662400x32xf32, #tpu.memory_space<hbm>> -> memref<2662400x32xf32, #tpu.memory_space<hbm>>
      tpu.wait_indirect_dma semaphore(%arg7 : memref<!tpu.dma_semaphore, #tpu.memory_space<semaphore_mem>>) src(%dma_wait3A_302 : memref<2662400x32xf32, #tpu.memory_space<hbm>>) dst(%dma_wait3A_296 : memref<128x32xf32, #tpu.memory_space<vmem>>)
      %dma_wait3A_303 = arith.constant 13 : i32
      %dma_wait3A_304 = arith.constant 1664 : i32
      %dma_wait3A_305 = arith.constant 0 : i32
      %dma_wait3A_306 = tpu.memref_slice %arg6[%dma_wait3A_304, %dma_wait3A_305] : memref<2048x32xf32, #tpu.memory_space<vmem>> -> memref<128x32xf32, #tpu.memory_space<vmem>>
      %dma_wait3A_307 = arith.constant 0 : i32
      %dma_wait3A_308 = tpu.memref_slice %arg5[%dma_wait3A_303, %dma_wait3A_307] : memref<16x128xi32, #tpu.memory_space<vmem>> -> memref<1x128xi32, #tpu.memory_space<vmem>>
      %dma_wait3A_309 = tpu.memref_squeeze %dma_wait3A_308 : memref<1x128xi32, #tpu.memory_space<vmem>> -> memref<128xi32, #tpu.memory_space<vmem>>
      %dma_wait3A_310 = arith.constant 0 : i32
      %dma_wait3A_311 = arith.constant 0 : i32
      %dma_wait3A_312 = tpu.memref_slice %arg2[%dma_wait3A_310, %dma_wait3A_311] : memref<2662400x32xf32, #tpu.memory_space<hbm>> -> memref<2662400x32xf32, #tpu.memory_space<hbm>>
      tpu.wait_indirect_dma semaphore(%arg7 : memref<!tpu.dma_semaphore, #tpu.memory_space<semaphore_mem>>) src(%dma_wait3A_312 : memref<2662400x32xf32, #tpu.memory_space<hbm>>) dst(%dma_wait3A_306 : memref<128x32xf32, #tpu.memory_space<vmem>>)
      %dma_wait3A_313 = arith.constant 14 : i32
      %dma_wait3A_314 = arith.constant 1792 : i32
      %dma_wait3A_315 = arith.constant 0 : i32
      %dma_wait3A_316 = tpu.memref_slice %arg6[%dma_wait3A_314, %dma_wait3A_315] : memref<2048x32xf32, #tpu.memory_space<vmem>> -> memref<128x32xf32, #tpu.memory_space<vmem>>
      %dma_wait3A_317 = arith.constant 0 : i32
      %dma_wait3A_318 = tpu.memref_slice %arg5[%dma_wait3A_313, %dma_wait3A_317] : memref<16x128xi32, #tpu.memory_space<vmem>> -> memref<1x128xi32, #tpu.memory_space<vmem>>
      %dma_wait3A_319 = tpu.memref_squeeze %dma_wait3A_318 : memref<1x128xi32, #tpu.memory_space<vmem>> -> memref<128xi32, #tpu.memory_space<vmem>>
      %dma_wait3A_320 = arith.constant 0 : i32
      %dma_wait3A_321 = arith.constant 0 : i32
      %dma_wait3A_322 = tpu.memref_slice %arg2[%dma_wait3A_320, %dma_wait3A_321] : memref<2662400x32xf32, #tpu.memory_space<hbm>> -> memref<2662400x32xf32, #tpu.memory_space<hbm>>
      tpu.wait_indirect_dma semaphore(%arg7 : memref<!tpu.dma_semaphore, #tpu.memory_space<semaphore_mem>>) src(%dma_wait3A_322 : memref<2662400x32xf32, #tpu.memory_space<hbm>>) dst(%dma_wait3A_316 : memref<128x32xf32, #tpu.memory_space<vmem>>)
      %dma_wait3A_323 = arith.constant 15 : i32
      %dma_wait3A_324 = arith.constant 1920 : i32
      %dma_wait3A_325 = arith.constant 0 : i32
      %dma_wait3A_326 = tpu.memref_slice %arg6[%dma_wait3A_324, %dma_wait3A_325] : memref<2048x32xf32, #tpu.memory_space<vmem>> -> memref<128x32xf32, #tpu.memory_space<vmem>>
      %dma_wait3A_327 = arith.constant 0 : i32
      %dma_wait3A_328 = tpu.memref_slice %arg5[%dma_wait3A_323, %dma_wait3A_327] : memref<16x128xi32, #tpu.memory_space<vmem>> -> memref<1x128xi32, #tpu.memory_space<vmem>>
      %dma_wait3A_329 = tpu.memref_squeeze %dma_wait3A_328 : memref<1x128xi32, #tpu.memory_space<vmem>> -> memref<128xi32, #tpu.memory_space<vmem>>
      %dma_wait3A_330 = arith.constant 0 : i32
      %dma_wait3A_331 = arith.constant 0 : i32
      %dma_wait3A_332 = tpu.memref_slice %arg2[%dma_wait3A_330, %dma_wait3A_331] : memref<2662400x32xf32, #tpu.memory_space<hbm>> -> memref<2662400x32xf32, #tpu.memory_space<hbm>>
      tpu.wait_indirect_dma semaphore(%arg7 : memref<!tpu.dma_semaphore, #tpu.memory_space<semaphore_mem>>) src(%dma_wait3A_332 : memref<2662400x32xf32, #tpu.memory_space<hbm>>) dst(%dma_wait3A_326 : memref<128x32xf32, #tpu.memory_space<vmem>>)
      "tpu.region"() ({
        %run_scoped3A = tpu.sem_alloc : memref<!tpu.dma_semaphore, #tpu.memory_space<semaphore_mem>>
        %dma_start3A_333 = arith.constant 0 : i32
        %dma_start3A_334 = tpu.memref_slice %arg4[%multiple_of3A_14, %dma_start3A_333] : memref<6553600x32xf32, #tpu.memory_space<hbm>> -> memref<2048x32xf32, #tpu.memory_space<hbm>>
        %dma_start3A_335 = arith.constant 0 : i32
        %dma_start3A_336 = tpu.memref_slice %arg4[%multiple_of3A_14, %dma_start3A_335] : memref<6553600x32xf32, #tpu.memory_space<hbm>> -> memref<2048x32xf32, #tpu.memory_space<hbm>>
        tpu.enqueue_dma source(%arg6 : memref<2048x32xf32, #tpu.memory_space<vmem>>) target(%dma_start3A_336 : memref<2048x32xf32, #tpu.memory_space<hbm>>) target_semaphore(%run_scoped3A : memref<!tpu.dma_semaphore, #tpu.memory_space<semaphore_mem>>)
        %dma_wait3A_337 = arith.constant 0 : i32
        %dma_wait3A_338 = tpu.memref_slice %arg4[%multiple_of3A_14, %dma_wait3A_337] : memref<6553600x32xf32, #tpu.memory_space<hbm>> -> memref<2048x32xf32, #tpu.memory_space<hbm>>
        %dma_wait3A_339 = arith.constant 0 : i32
        %dma_wait3A_340 = tpu.memref_slice %arg4[%multiple_of3A_14, %dma_wait3A_339] : memref<6553600x32xf32, #tpu.memory_space<hbm>> -> memref<2048x32xf32, #tpu.memory_space<hbm>>
        tpu.wait_dma2 semaphore(%run_scoped3A : memref<!tpu.dma_semaphore, #tpu.memory_space<semaphore_mem>>) src(%arg6 : memref<2048x32xf32, #tpu.memory_space<vmem>>) dst(%dma_wait3A_340 : memref<2048x32xf32, #tpu.memory_space<hbm>>)
        tpu.yield
      }) : () -> ()
    }
    %scan3A_5 = arith.constant 100 : i32
    return
  }
}

module attributes {stable_mosaic.version = 14 : i64} {
  func.func @body(%arg0: i32, %arg1: i32, %arg2: memref<1x32x4096xf32, #tpu.memory_space<vmem>>, %arg3: memref<1x1024x128xf32, #tpu.memory_space<vmem>>) attributes {dimension_semantics = [#tpu.dimension_semantics<arbitrary>, #tpu.dimension_semantics<arbitrary>], iteration_bounds = array<i64: 26, 25>, scalar_prefetch = 0 : i64, scratch_operands = 0 : i64, tpu.core_type = #tpu.core_type<tc>, window_params = [{transform_indices = @transform_0, window_bounds = array<i64: 1, 32, 4096>}, {transform_indices = @transform_1, window_bounds = array<i64: 1, 1024, 128>}]} {
    %get3A = arith.constant 0 : index
    %get3A_0 = arith.constant 0 : index
    %get3A_1 = arith.constant 0 : index
    %get3A_2 = vector.load %arg2[%get3A, %get3A_0, %get3A_1] : memref<1x32x4096xf32, #tpu.memory_space<vmem>>, vector<1x32x4096xf32>
    %get3A_3 = vector.shape_cast %get3A_2 : vector<1x32x4096xf32> to vector<32x4096xf32>
    %iota3A = tpu.iota {dimensions = array<i32: 1>} : vector<32x4096xi32>
    %mul3A = arith.constant 4096 : i32
    %mul3A_4 = arith.muli %arg1, %mul3A : i32
    %add3A = vector.broadcast %mul3A_4 : i32 to vector<32x4096xi32>
    %add3A_5 = arith.addi %iota3A, %add3A : vector<32x4096xi32>
    %le3A = arith.constant 100000 : i32
    %le3A_6 = vector.broadcast %le3A : i32 to vector<32x4096xi32>
    %le3A_7 = arith.cmpi sle, %add3A_5, %le3A_6 : vector<32x4096xi32>
    %jit3A = arith.constant 0.000000e+00 : f32
    %broadcast_in_dim3A = vector.broadcast %jit3A : f32 to vector<32x4096xf32>
    %select_n3A = arith.select %le3A_7, %get3A_3, %broadcast_in_dim3A : vector<32x4096xi1>, vector<32x4096xf32>
    %transpose3A = tpu.transpose %select_n3A, [1, 0] : vector<32x4096xf32> -> vector<4096x32xf32>
    %reshape3A = vector.shape_cast %transpose3A : vector<4096x32xf32> to vector<1024x4x32xf32>
    %slice3A = vector.extract_strided_slice %reshape3A {offsets = [0, 0, 0], sizes = [1024, 1, 32], strides = [1, 1, 1]} : vector<1024x4x32xf32> to vector<1024x1x32xf32>
    %squeeze3A = vector.shape_cast %slice3A : vector<1024x1x32xf32> to vector<1024x32xf32>
    %slice3A_8 = vector.extract_strided_slice %reshape3A {offsets = [0, 1, 0], sizes = [1024, 1, 32], strides = [1, 1, 1]} : vector<1024x4x32xf32> to vector<1024x1x32xf32>
    %squeeze3A_9 = vector.shape_cast %slice3A_8 : vector<1024x1x32xf32> to vector<1024x32xf32>
    %slice3A_10 = vector.extract_strided_slice %reshape3A {offsets = [0, 2, 0], sizes = [1024, 1, 32], strides = [1, 1, 1]} : vector<1024x4x32xf32> to vector<1024x1x32xf32>
    %squeeze3A_11 = vector.shape_cast %slice3A_10 : vector<1024x1x32xf32> to vector<1024x32xf32>
    %slice3A_12 = vector.extract_strided_slice %reshape3A {offsets = [0, 3, 0], sizes = [1024, 1, 32], strides = [1, 1, 1]} : vector<1024x4x32xf32> to vector<1024x1x32xf32>
    %squeeze3A_13 = vector.shape_cast %slice3A_12 : vector<1024x1x32xf32> to vector<1024x32xf32>
    %concatenate3A = tpu.concatenate %squeeze3A, %squeeze3A_9, %squeeze3A_11, %squeeze3A_13 in 1 : vector<1024x32xf32>, vector<1024x32xf32>, vector<1024x32xf32>, vector<1024x32xf32> -> vector<1024x128xf32>
    %swap3A = arith.constant 0 : index
    %swap3A_14 = arith.constant 0 : index
    %swap3A_15 = arith.constant 0 : index
    %swap3A_16 = vector.load %arg3[%swap3A, %swap3A_14, %swap3A_15] : memref<1x1024x128xf32, #tpu.memory_space<vmem>>, vector<1x1024x128xf32>
    %swap3A_17 = vector.shape_cast %swap3A_16 : vector<1x1024x128xf32> to vector<1024x128xf32>
    %swap3A_18 = vector.shape_cast %concatenate3A : vector<1024x128xf32> to vector<1x1024x128xf32>
    tpu.vector_store %arg3[%swap3A, %swap3A_14, %swap3A_15], %swap3A_18 {strides = array<i32>} : memref<1x1024x128xf32, #tpu.memory_space<vmem>>, vector<1x1024x128xf32>,
    return
  }
  func.func @transform_0(%arg0: i32, %arg1: i32) -> (i32, i32, i32) {
    %c0_i32 = arith.constant 0 : i32
    %c0_i32_0 = arith.constant 0 : i32
    return %arg0, %c0_i32, %arg1 : i32, i32, i32
  }
  func.func @transform_1(%arg0: i32, %arg1: i32) -> (i32, i32, i32) {
    %c0_i32 = arith.constant 0 : i32
    %c0_i32_0 = arith.constant 0 : i32
    return %arg0, %arg1, %c0_i32 : i32, i32, i32
  }
}

module attributes {stable_mosaic.version = 14 : i64} {
  func.func @_tc_matmul_body(%arg0: i32, %arg1: memref<1024x8x128xf32, #tpu.memory_space<vmem>>, %arg2: memref<1024x13xf32, #tpu.memory_space<vmem>>, %arg3: memref<1024x128xf32, #tpu.memory_space<vmem>>, %arg4: memref<13x32xf32, #tpu.memory_space<vmem>>, %arg5: memref<32x128xf32, #tpu.memory_space<vmem>>, %arg6: memref<1x32xf32, #tpu.memory_space<vmem>>, %arg7: memref<1x128xf32, #tpu.memory_space<vmem>>, %arg8: memref<1024x128xf32, #tpu.memory_space<vmem>>) attributes {dimension_semantics = [#tpu.dimension_semantics<arbitrary>], iteration_bounds = array<i64: 200>, scalar_prefetch = 0 : i64, scratch_operands = 0 : i64, tpu.core_type = #tpu.core_type<tc>, window_params = [{transform_indices = @transform_0, window_bounds = array<i64: 1024, 8, 128>}, {transform_indices = @transform_1, window_bounds = array<i64: 1024, 13>}, {pipeline_mode = #tpu.pipeline_mode<synchronous>, transform_indices = @transform_2, window_bounds = array<i64: 1024, 128>}, {pipeline_mode = #tpu.pipeline_mode<synchronous>, transform_indices = @transform_3, window_bounds = array<i64: 13, 32>}, {pipeline_mode = #tpu.pipeline_mode<synchronous>, transform_indices = @transform_4, window_bounds = array<i64: 32, 128>}, {pipeline_mode = #tpu.pipeline_mode<synchronous>, transform_indices = @transform_5, window_bounds = array<i64: 1, 32>}, {pipeline_mode = #tpu.pipeline_mode<synchronous>, transform_indices = @transform_6, window_bounds = array<i64: 1, 128>}, {transform_indices = @transform_7, window_bounds = array<i64: 1024, 128>}]} {
    %get3A = arith.constant 0 : index
    %get3A_0 = arith.constant 0 : index
    %get3A_1 = arith.constant 0 : index
    %get3A_2 = vector.load %arg1[%get3A, %get3A_0, %get3A_1] : memref<1024x8x128xf32, #tpu.memory_space<vmem>>, vector<1024x1x128xf32>
    %get3A_3 = vector.shape_cast %get3A_2 : vector<1024x1x128xf32> to vector<1024x128xf32>
    %get3A_4 = arith.constant 0 : index
    %get3A_5 = arith.constant 0 : index
    %get3A_6 = vector.load %arg3[%get3A_4, %get3A_5] : memref<1024x128xf32, #tpu.memory_space<vmem>>, vector<128x128xf32>
    %dot_general3A = arith.constant dense<0.000000e+00> : vector<1024x128xf32>
    %dot_general3A_7 = tpu.matmul %get3A_3, %get3A_6, %dot_general3A {dimension_numbers = #tpu.dot_dimension_numbers<[1], [0], [0], [1], [0, 0, 1, 1], [], []>, transpose_lhs_hint = false} : vector<1024x128xf32>, vector<128x128xf32>, vector<1024x128xf32> -> vector<1024x128xf32>
    %get3A_8 = arith.constant 0 : index
    %get3A_9 = arith.constant 1 : index
    %get3A_10 = arith.constant 0 : index
    %get3A_11 = vector.load %arg1[%get3A_8, %get3A_9, %get3A_10] : memref<1024x8x128xf32, #tpu.memory_space<vmem>>, vector<1024x1x128xf32>
    %get3A_12 = vector.shape_cast %get3A_11 : vector<1024x1x128xf32> to vector<1024x128xf32>
    %get3A_13 = arith.constant 128 : index
    %get3A_14 = arith.constant 0 : index
    %get3A_15 = vector.load %arg3[%get3A_13, %get3A_14] : memref<1024x128xf32, #tpu.memory_space<vmem>>, vector<128x128xf32>
    %dot_general3A_16 = arith.constant dense<0.000000e+00> : vector<1024x128xf32>
    %dot_general3A_17 = tpu.matmul %get3A_12, %get3A_15, %dot_general3A_16 {dimension_numbers = #tpu.dot_dimension_numbers<[1], [0], [0], [1], [0, 0, 1, 1], [], []>, transpose_lhs_hint = false} : vector<1024x128xf32>, vector<128x128xf32>, vector<1024x128xf32> -> vector<1024x128xf32>
    %add3A = arith.addf %dot_general3A_7, %dot_general3A_17 : vector<1024x128xf32>
    %get3A_18 = arith.constant 0 : index
    %get3A_19 = arith.constant 2 : index
    %get3A_20 = arith.constant 0 : index
    %get3A_21 = vector.load %arg1[%get3A_18, %get3A_19, %get3A_20] : memref<1024x8x128xf32, #tpu.memory_space<vmem>>, vector<1024x1x128xf32>
    %get3A_22 = vector.shape_cast %get3A_21 : vector<1024x1x128xf32> to vector<1024x128xf32>
    %get3A_23 = arith.constant 256 : index
    %get3A_24 = arith.constant 0 : index
    %get3A_25 = vector.load %arg3[%get3A_23, %get3A_24] : memref<1024x128xf32, #tpu.memory_space<vmem>>, vector<128x128xf32>
    %dot_general3A_26 = arith.constant dense<0.000000e+00> : vector<1024x128xf32>
    %dot_general3A_27 = tpu.matmul %get3A_22, %get3A_25, %dot_general3A_26 {dimension_numbers = #tpu.dot_dimension_numbers<[1], [0], [0], [1], [0, 0, 1, 1], [], []>, transpose_lhs_hint = false} : vector<1024x128xf32>, vector<128x128xf32>, vector<1024x128xf32> -> vector<1024x128xf32>
    %add3A_28 = arith.addf %add3A, %dot_general3A_27 : vector<1024x128xf32>
    %get3A_29 = arith.constant 0 : index
    %get3A_30 = arith.constant 3 : index
    %get3A_31 = arith.constant 0 : index
    %get3A_32 = vector.load %arg1[%get3A_29, %get3A_30, %get3A_31] : memref<1024x8x128xf32, #tpu.memory_space<vmem>>, vector<1024x1x128xf32>
    %get3A_33 = vector.shape_cast %get3A_32 : vector<1024x1x128xf32> to vector<1024x128xf32>
    %get3A_34 = arith.constant 384 : index
    %get3A_35 = arith.constant 0 : index
    %get3A_36 = vector.load %arg3[%get3A_34, %get3A_35] : memref<1024x128xf32, #tpu.memory_space<vmem>>, vector<128x128xf32>
    %dot_general3A_37 = arith.constant dense<0.000000e+00> : vector<1024x128xf32>
    %dot_general3A_38 = tpu.matmul %get3A_33, %get3A_36, %dot_general3A_37 {dimension_numbers = #tpu.dot_dimension_numbers<[1], [0], [0], [1], [0, 0, 1, 1], [], []>, transpose_lhs_hint = false} : vector<1024x128xf32>, vector<128x128xf32>, vector<1024x128xf32> -> vector<1024x128xf32>
    %add3A_39 = arith.addf %add3A_28, %dot_general3A_38 : vector<1024x128xf32>
    %get3A_40 = arith.constant 0 : index
    %get3A_41 = arith.constant 4 : index
    %get3A_42 = arith.constant 0 : index
    %get3A_43 = vector.load %arg1[%get3A_40, %get3A_41, %get3A_42] : memref<1024x8x128xf32, #tpu.memory_space<vmem>>, vector<1024x1x128xf32>
    %get3A_44 = vector.shape_cast %get3A_43 : vector<1024x1x128xf32> to vector<1024x128xf32>
    %get3A_45 = arith.constant 512 : index
    %get3A_46 = arith.constant 0 : index
    %get3A_47 = vector.load %arg3[%get3A_45, %get3A_46] : memref<1024x128xf32, #tpu.memory_space<vmem>>, vector<128x128xf32>
    %dot_general3A_48 = arith.constant dense<0.000000e+00> : vector<1024x128xf32>
    %dot_general3A_49 = tpu.matmul %get3A_44, %get3A_47, %dot_general3A_48 {dimension_numbers = #tpu.dot_dimension_numbers<[1], [0], [0], [1], [0, 0, 1, 1], [], []>, transpose_lhs_hint = false} : vector<1024x128xf32>, vector<128x128xf32>, vector<1024x128xf32> -> vector<1024x128xf32>
    %add3A_50 = arith.addf %add3A_39, %dot_general3A_49 : vector<1024x128xf32>
    %get3A_51 = arith.constant 0 : index
    %get3A_52 = arith.constant 5 : index
    %get3A_53 = arith.constant 0 : index
    %get3A_54 = vector.load %arg1[%get3A_51, %get3A_52, %get3A_53] : memref<1024x8x128xf32, #tpu.memory_space<vmem>>, vector<1024x1x128xf32>
    %get3A_55 = vector.shape_cast %get3A_54 : vector<1024x1x128xf32> to vector<1024x128xf32>
    %get3A_56 = arith.constant 640 : index
    %get3A_57 = arith.constant 0 : index
    %get3A_58 = vector.load %arg3[%get3A_56, %get3A_57] : memref<1024x128xf32, #tpu.memory_space<vmem>>, vector<128x128xf32>
    %dot_general3A_59 = arith.constant dense<0.000000e+00> : vector<1024x128xf32>
    %dot_general3A_60 = tpu.matmul %get3A_55, %get3A_58, %dot_general3A_59 {dimension_numbers = #tpu.dot_dimension_numbers<[1], [0], [0], [1], [0, 0, 1, 1], [], []>, transpose_lhs_hint = false} : vector<1024x128xf32>, vector<128x128xf32>, vector<1024x128xf32> -> vector<1024x128xf32>
    %add3A_61 = arith.addf %add3A_50, %dot_general3A_60 : vector<1024x128xf32>
    %get3A_62 = arith.constant 0 : index
    %get3A_63 = arith.constant 6 : index
    %get3A_64 = arith.constant 0 : index
    %get3A_65 = vector.load %arg1[%get3A_62, %get3A_63, %get3A_64] : memref<1024x8x128xf32, #tpu.memory_space<vmem>>, vector<1024x1x128xf32>
    %get3A_66 = vector.shape_cast %get3A_65 : vector<1024x1x128xf32> to vector<1024x128xf32>
    %get3A_67 = arith.constant 768 : index
    %get3A_68 = arith.constant 0 : index
    %get3A_69 = vector.load %arg3[%get3A_67, %get3A_68] : memref<1024x128xf32, #tpu.memory_space<vmem>>, vector<128x128xf32>
    %dot_general3A_70 = arith.constant dense<0.000000e+00> : vector<1024x128xf32>
    %dot_general3A_71 = tpu.matmul %get3A_66, %get3A_69, %dot_general3A_70 {dimension_numbers = #tpu.dot_dimension_numbers<[1], [0], [0], [1], [0, 0, 1, 1], [], []>, transpose_lhs_hint = false} : vector<1024x128xf32>, vector<128x128xf32>, vector<1024x128xf32> -> vector<1024x128xf32>
    %add3A_72 = arith.addf %add3A_61, %dot_general3A_71 : vector<1024x128xf32>
    %get3A_73 = arith.constant 0 : index
    %get3A_74 = arith.constant 7 : index
    %get3A_75 = arith.constant 0 : index
    %get3A_76 = vector.load %arg1[%get3A_73, %get3A_74, %get3A_75] : memref<1024x8x128xf32, #tpu.memory_space<vmem>>, vector<1024x1x128xf32>
    %get3A_77 = vector.shape_cast %get3A_76 : vector<1024x1x128xf32> to vector<1024x128xf32>
    %get3A_78 = arith.constant 896 : index
    %get3A_79 = arith.constant 0 : index
    %get3A_80 = vector.load %arg3[%get3A_78, %get3A_79] : memref<1024x128xf32, #tpu.memory_space<vmem>>, vector<128x128xf32>
    %dot_general3A_81 = arith.constant dense<0.000000e+00> : vector<1024x128xf32>
    %dot_general3A_82 = tpu.matmul %get3A_77, %get3A_80, %dot_general3A_81 {dimension_numbers = #tpu.dot_dimension_numbers<[1], [0], [0], [1], [0, 0, 1, 1], [], []>, transpose_lhs_hint = false} : vector<1024x128xf32>, vector<128x128xf32>, vector<1024x128xf32> -> vector<1024x128xf32>
    %add3A_83 = arith.addf %add3A_72, %dot_general3A_82 : vector<1024x128xf32>
    %get3A_84 = arith.constant 0 : index
    %get3A_85 = arith.constant 0 : index
    %get3A_86 = vector.load %arg2[%get3A_84, %get3A_85] : memref<1024x13xf32, #tpu.memory_space<vmem>>, vector<1024x13xf32>
    %get3A_87 = arith.constant 0 : index
    %get3A_88 = arith.constant 0 : index
    %get3A_89 = vector.load %arg4[%get3A_87, %get3A_88] : memref<13x32xf32, #tpu.memory_space<vmem>>, vector<13x32xf32>
    %dot_general3A_90 = arith.constant dense<0.000000e+00> : vector<1024x32xf32>
    %dot_general3A_91 = tpu.matmul %get3A_86, %get3A_89, %dot_general3A_90 {dimension_numbers = #tpu.dot_dimension_numbers<[1], [0], [0], [1], [0, 0, 1, 1], [], []>, transpose_lhs_hint = false} : vector<1024x13xf32>, vector<13x32xf32>, vector<1024x32xf32> -> vector<1024x32xf32>
    %get3A_92 = arith.constant 0 : index
    %get3A_93 = arith.constant 0 : index
    %get3A_94 = vector.load %arg6[%get3A_92, %get3A_93] : memref<1x32xf32, #tpu.memory_space<vmem>>, vector<1x32xf32>
    %add3A_95 = vector.broadcast %get3A_94 : vector<1x32xf32> to vector<1024x32xf32>
    %add3A_96 = arith.addf %dot_general3A_91, %add3A_95 : vector<1024x32xf32>
    %get3A_97 = arith.constant 0 : index
    %get3A_98 = arith.constant 0 : index
    %get3A_99 = vector.load %arg5[%get3A_97, %get3A_98] : memref<32x128xf32, #tpu.memory_space<vmem>>, vector<32x128xf32>
    %dot_general3A_100 = arith.constant dense<0.000000e+00> : vector<1024x128xf32>
    %dot_general3A_101 = tpu.matmul %add3A_96, %get3A_99, %dot_general3A_100 {dimension_numbers = #tpu.dot_dimension_numbers<[1], [0], [0], [1], [0, 0, 1, 1], [], []>, transpose_lhs_hint = false} : vector<1024x32xf32>, vector<32x128xf32>, vector<1024x128xf32> -> vector<1024x128xf32>
    %add3A_102 = arith.addf %add3A_83, %dot_general3A_101 : vector<1024x128xf32>
    %get3A_103 = arith.constant 0 : index
    %get3A_104 = arith.constant 0 : index
    %get3A_105 = vector.load %arg7[%get3A_103, %get3A_104] : memref<1x128xf32, #tpu.memory_space<vmem>>, vector<1x128xf32>
    %add3A_106 = vector.broadcast %get3A_105 : vector<1x128xf32> to vector<1024x128xf32>
    %add3A_107 = arith.addf %add3A_102, %add3A_106 : vector<1024x128xf32>
    %swap3A = arith.constant 0 : index
    %swap3A_108 = arith.constant 0 : index
    %swap3A_109 = vector.load %arg8[%swap3A, %swap3A_108] : memref<1024x128xf32, #tpu.memory_space<vmem>>, vector<1024x128xf32>
    tpu.vector_store %arg8[%swap3A, %swap3A_108], %add3A_107 {strides = array<i32>} : memref<1024x128xf32, #tpu.memory_space<vmem>>, vector<1024x128xf32>,
    return
  }
  func.func @transform_0(%arg0: i32) -> (i32, i32, i32) {
    %c0_i32 = arith.constant 0 : i32
    %c0_i32_0 = arith.constant 0 : i32
    %c0_i32_1 = arith.constant 0 : i32
    return %arg0, %c0_i32, %c0_i32_0 : i32, i32, i32
  }
  func.func @transform_1(%arg0: i32) -> (i32, i32) {
    %c0_i32 = arith.constant 0 : i32
    %c0_i32_0 = arith.constant 0 : i32
    return %arg0, %c0_i32 : i32, i32
  }
  func.func @transform_2(%arg0: i32) -> (i32, i32) {
    %c0_i32 = arith.constant 0 : i32
    %c0_i32_0 = arith.constant 0 : i32
    %c0_i32_1 = arith.constant 0 : i32
    return %c0_i32, %c0_i32_0 : i32, i32
  }
  func.func @transform_3(%arg0: i32) -> (i32, i32) {
    %c0_i32 = arith.constant 0 : i32
    %c0_i32_0 = arith.constant 0 : i32
    %c0_i32_1 = arith.constant 0 : i32
    return %c0_i32, %c0_i32_0 : i32, i32
  }
  func.func @transform_4(%arg0: i32) -> (i32, i32) {
    %c0_i32 = arith.constant 0 : i32
    %c0_i32_0 = arith.constant 0 : i32
    %c0_i32_1 = arith.constant 0 : i32
    return %c0_i32, %c0_i32_0 : i32, i32
  }
  func.func @transform_5(%arg0: i32) -> (i32, i32) {
    %c0_i32 = arith.constant 0 : i32
    %c0_i32_0 = arith.constant 0 : i32
    %c0_i32_1 = arith.constant 0 : i32
    return %c0_i32, %c0_i32_0 : i32, i32
  }
  func.func @transform_6(%arg0: i32) -> (i32, i32) {
    %c0_i32 = arith.constant 0 : i32
    %c0_i32_0 = arith.constant 0 : i32
    %c0_i32_1 = arith.constant 0 : i32
    return %c0_i32, %c0_i32_0 : i32, i32
  }
  func.func @transform_7(%arg0: i32) -> (i32, i32) {
    %c0_i32 = arith.constant 0 : i32
    %c0_i32_0 = arith.constant 0 : i32
    return %arg0, %c0_i32 : i32, i32
  }
}

</mosaic_0001>

<sc_bundles>
// kernel: kernel.5.cloned.1.call-start
scs
__scs_entry_jumppad:
0x0: {  	(pc) =	sbr.rel $0x88, $3  }
0x1: {  	(tag) =	ssettag $0x0;
	lr =	simm.s32 $0x1  }
0x2: {  	[smem:$0x3F9A] =	sst lr;
	_ =	strace $0xD0000000  }
0x3: {  	_ = 	snop  }
0x4: {  	_ = 	snop  }
0x5: {  	_ = 	snop  }
0x6: {  	_ = 	snop  }
0x7: {  	_ = 	snop  }
__scs_overlays_trampoline_lowered:
0x8: {  	[smem:$0x3FA9] =	sst s0  }
0x9: {  	[smem:$0x3FAA] =	sst s1  }
0xa: {  	[smem:$0x3FAB] =	sst s2  }
0xb: {  	[smem:$0x3FAC] =	sst s3  }
0xc: {  	[smem:$0x3FAD] =	sst s4  }
0xd: {  	[smem:$0x3FAE] =	sst s5  }
0xe: {  	[smem:$0x3FAF] =	sst s6  }
0xf: {  	[smem:$0x3FB0] =	sst s7  }
0x10: {  	[smem:$0x3FB1] =	sst s8  }
0x11: {  	[smem:$0x3FB2] =	sst s9;
	s0 =	simm.s32 @!p0 $0x0  }
0x12: {  	s1 =	sld [smem:$0x3F98];
	s0 =	simm.s32 @p0 $0x1  }
0x13: {  	[smem:$0x3FB3] =	sst s0;
	s0 =	simm.s32 @!p1 $0x0  }
0x14: {  	s2 =	sld [smem:$0x3F97];
	s0 =	simm.s32 @p1 $0x1  }
0x15: {  	[smem:$0x3FB4] =	sst s0;
	s0 =	simm.s32 @!p2 $0x0  }
0x16: {  	s3 =	sld [smem:$0x3FDB];
	s0 =	simm.s32 @p2 $0x1  }
0x17: {  	s4 =	simm.s32 $0x1BF5;
	[smem:$0x3FB6] =	sst s0  }
0x18: {  	s0 =	sld [smem:$0x3F99];
	_ =	swait.ge [sflag:s4], $0x0  }
0x19: {  	s7 =	sld [smem:$0x3F9A]  }
0x1a: {  	s8 =	sadd.s32 $0xFFFFE003, lr  }
0x1b: {  	s9 =	sadd.s32 $0xFFFFFEF7, lr;
	s5 =	simm.s32 $0xFFFFFFFF;
	p2 =	slt.u32 s8, $0xFFFFF086  }
0x1c: {  	p1 =	slt.u32 s9, $0xF7A;
	s5 =	simm.s32 @!p2 $0x0  }
0x1d: {  	s5 =	simm.s32 @p1 $0x1;
	p0 =	seq.s32 s7, s2  }
0x1e: {  	s7 =	smul.u32 @!p0 $0xF7A, s2;
	p2 =	seq.s32 @!p0 s5, $0x0  }
0x1f: {  	s9 =	smul.u32 $0xF7A, s1;
	s8 =	simm.s32 @!p0 $0x1BF5;
	p2 =	por !p2, p0  }
0x20: {  	[sflag:s8] =	ssyncset.s32 @!p0 $0xFFFFF086;
	s6 =	sadd.s32 @!p0 s3, s7;
	s7 =	simm.s32 @!p0 $0x108  }
0x21: {  	s3 =	sadd.s32 s3, s9;
	s6 =	sadd.s32 @!p0 $0x88, s6;
	s7 =	simm.s32 @p2 $0x1082  }
0x22: {  	[simem:s7], [sflag:s8] =	dma.local @!p0 [hbm:s6], $0xF7A  }
0x23: {  	s9 =	sor.u32 $0xD0000000, s2;
	s6 =	simm.s32 $0x108;
	_ =	swait.ge @!p0 [sflag:s8], $0x0  }
0x24: {  	s3 =	sadd.s32 $0x88, s3;
	s6 =	simm.s32 @!p1 $0x1082;
	[sflag:s4] =	ssyncset.s32 $0xFFFFF086  }
0x25: {  	[simem:s6], [sflag:s4] =	dma.local [hbm:s3], $0xF7A  }
0x26: {  	[smem:$0x3F9A] =	sst s1;
	(tag) =	ssettag s2;
	_ =	strace s9  }
0x27: {  	s1 =	sld [smem:$0x3FAA]  }
0x28: {  	s2 =	sld [smem:$0x3FAB]  }
0x29: {  	s4 =	sld [smem:$0x3FAD]  }
0x2a: {  	p0 =	seq.s32 s5, $0x0;
	s5 =	sld [smem:$0x3FAE]  }
0x2b: {  	s6 =	sld [smem:$0x3FAF]  }
0x2c: {  	s7 =	sld [smem:$0x3FB0]  }
0x2d: {  	s3 =	simm.s32 $0x108;
	s8 =	sld [smem:$0x3FB1]  }
0x2e: {  	s3 =	simm.s32 @!p0 $0x1082;
	s9 =	sld [smem:$0x3FB2]  }
0x2f: {  	lr =	sadd.s32 s0, s3;
	s0 =	sld [smem:$0x3FA9]  }
0x30: {  	s3 =	sld [smem:$0x3FAC]  }
0x31: {  	[smem:$0x3FB5] =	sst s10  }
0x32: {  	s10 =	sld [smem:$0x3FB3];
	_ =	sdelay $0x3  }
0x33: {  	p0 =	seq.s32 s10, $0x1;
	s10 =	sld [smem:$0x3FB5];
	_ =	sdelay $0x3  }
0x34: {  	[smem:$0x3FB5] =	sst s10  }
0x35: {  	s10 =	sld [smem:$0x3FB4];
	_ =	sdelay $0x3  }
0x36: {  	p1 =	seq.s32 s10, $0x1;
	s10 =	sld [smem:$0x3FB5];
	_ =	sdelay $0x3  }
0x37: {  	[smem:$0x3FB5] =	sst s10  }
0x38: {  	s10 =	sld [smem:$0x3FB6]  }
0x39: {  	_ = 	snop;
	(pc) =	sbr.ind lr, $3  }
0x3a: {  	_ = 	snop  }
0x3b: {  	_ = 	snop  }
0x3c: {  	p2 =	seq.s32 s10, $0x1;
	s10 =	sld [smem:$0x3FB5]  }
0x3d: {  	_ =	shalt  }
0x3e: {  	_ =	shalt  }
0x3f: {  	_ =	shalt  }
0x40: {  	_ =	shalt  }
0x41: {  	_ =	shalt  }
0x42: {  	_ =	shalt  }
0x43: {  	_ =	shalt  }
0x44: {  	_ =	shalt  }
0x45: {  	_ =	shalt  }
0x46: {  	_ =	shalt  }
0x47: {  	_ =	shalt  }
0x48: {  	_ =	shalt  }
0x49: {  	_ =	shalt  }
0x4a: {  	_ =	shalt  }
0x4b: {  	_ =	shalt  }
0x4c: {  	_ =	shalt  }
0x4d: {  	_ =	shalt  }
0x4e: {  	_ =	shalt  }
0x4f: {  	_ =	shalt  }
0x50: {  	_ =	shalt  }
0x51: {  	_ =	shalt  }
0x52: {  	_ =	shalt  }
0x53: {  	_ =	shalt  }
0x54: {  	_ =	shalt  }
0x55: {  	_ =	shalt  }
0x56: {  	_ =	shalt  }
0x57: {  	_ =	shalt  }
0x58: {  	_ =	shalt  }
0x59: {  	_ =	shalt  }
0x5a: {  	_ =	shalt  }
0x5b: {  	_ =	shalt  }
0x5c: {  	_ =	shalt  }
0x5d: {  	_ =	shalt  }
0x5e: {  	_ =	shalt  }
0x5f: {  	_ =	shalt  }
0x60: {  	_ =	shalt  }
0x61: {  	_ =	shalt  }
0x62: {  	_ =	shalt  }
0x63: {  	_ =	shalt  }
0x64: {  	_ =	shalt  }
0x65: {  	_ =	shalt  }
0x66: {  	_ =	shalt  }
0x67: {  	_ =	shalt  }
0x68: {  	_ =	shalt  }
0x69: {  	_ =	shalt  }
0x6a: {  	_ =	shalt  }
0x6b: {  	_ =	shalt  }
0x6c: {  	_ =	shalt  }
0x6d: {  	_ =	shalt  }
0x6e: {  	_ =	shalt  }
0x6f: {  	_ =	shalt  }
0x70: {  	_ =	shalt  }
0x71: {  	_ =	shalt  }
0x72: {  	_ =	shalt  }
0x73: {  	_ =	shalt  }
0x74: {  	_ =	shalt  }
0x75: {  	_ =	shalt  }
0x76: {  	_ =	shalt  }
0x77: {  	_ =	shalt  }
0x78: {  	_ =	shalt  }
0x79: {  	_ =	shalt  }
0x7a: {  	_ =	shalt  }
0x7b: {  	_ =	shalt  }
0x7c: {  	_ =	shalt  }
0x7d: {  	_ =	shalt  }
0x7e: {  	_ =	shalt  }
0x7f: {  	_ =	shalt  }
0x80: {  	_ =	shalt  }
0x81: {  	_ =	shalt  }
0x82: {  	_ =	shalt  }
0x83: {  	_ =	shalt  }
0x84: {  	_ =	shalt  }
0x85: {  	_ =	shalt  }
0x86: {  	_ =	shalt  }
0x87: {  	_ =	shalt  }
.Lfunc_end0:
.L_simem_size_0:
called_computation.1_lowered:
.L_overlay_start_0:
0x88: {  	s2 =	sld [smem:$0x3FD9]  }
0x89: {  	s3 =	sld [smem:$0x3FFE];
	_ =	sdelay $0x1  }
0x8a: {  	s1 =	srdreg.scid  }
0x8b: {  	s0 =	sand.u32 $0x1, s1  }
0x8c: {  	s16 =	sshll.u32 s0, $0xA;
	s2 =	sadd.s32 s3, s2  }
0x8d: {  	s2 =	sadd.s32 s2, s16  }
0x8e: {  	[smem:$0x3FC1] =	sst s2  }
0x8f: {  	_ = 	snop  }
0x90: {  	(tm) =	ssettm $0x1  }
0x91: {  	s17 =	sld [smem:$0x3FFB];
	_ =	sdelay $0x3  }
0x92: {  	_ =	strace s17  }
0x93: {  	s2 =	sld [smem:$0x3FFC];
	_ =	sdelay $0x3  }
0x94: {  	_ =	strace s2  }
0x95: {  	s2 =	sld [smem:$0x3FFD];
	_ =	sdelay $0x3  }
0x96: {  	_ =	strace s2  }
0x97: {  	_ =	strace $0x8FFFFFFF  }
0x98: {  	s18 =	sld [smem:$0x3FDB];
	_ =	sdelay $0x1  }
0x99: {  	s19 =	simm.s32 $_scs_section_size  }
0x9a: {  	s4 =	simm.s32 $_size__tile_overlayer_lowered;
	s5 =	simm.s32 $_tile_overlayer_lowered  }
0x9b: {  	s22 =	simm.s32 $0x1BFF;
	s21 =	sshll.u32 s5, $0x1;
	s2 =	sadd.s32 s19, s18  }
0x9c: {  	s6 =	simm.s32 $0x0;
	s20 =	sshll.u32 s4, $0x1;
	s4 =	sadd.s32 s21, s2  }
0x9d: {  	[timem:s6], [sflag:s22] =	dma.local [hbm:s4], s20  }
0x9e: {  	_ =	swait.ge [sflag:s22], s20  }
0x9f: {  	s3 =	ssub.s32 $0x0, s20;
	[sflag:s22] =	ssyncset.done $0x0  }
0xa0: {  	[sflag:s22] =	ssyncadd.s32 s3;
	_ =	sdelay $0x1  }
0xa1: {  	s23 =	simm.s32 $0x1B8B  }
0xa2: {  	_ =	swait.ge [sflag:s23], $0x1  }
0xa3: {  	[sflag:s23] =	ssyncset.done $0x0  }
0xa4: {  	s25 =	simm.s32 $0x1B8E;
	s24 =	sld [smem:$0x3FFE];
	[sflag:s23] =	ssyncadd.s32 $0xFFFFFFFF  }
0xa5: {  	s26 =	simm.s32 $execute0_lowered;
	[smem:$0x3FD2] =	sst s25  }
0xa6: {  	s4 =	sshll.u32 s26, $0x1;
	_ =	strace $0x80000046;
	[dreg:$0x1] =	wrdreg $0xFFFFFFFF  }
0xa7: {  	s28 =	simm.s32 $_size_execute0_lowered;
	s2 =	sadd.s32 s2, s4;
	[dreg:$0x0] =	wrdreg $0x0  }
0xa8: {  	s4 =	sshll.u32 s28, $0x1;
	[dreg:$0x2] =	wrdreg s2  }
0xa9: {  	[dreg:$0x3] =	wrdreg s4  }
0xaa: {  	[dreg:$0x4] =	wrdreg $0xC0  }
0xab: {  	_ =	task [dreg:s6], $0x5FFFF  }
0xac: {  	[dreg:$0x1] =	wrdreg $0xFFFFFFFF  }
0xad: {  	[dreg:$0x0] =	wrdreg $0x60  }
0xae: {  	[dreg:$0x2] =	wrdreg s24  }
0xaf: {  	[dreg:$0x3] =	wrdreg $0x9  }
0xb0: {  	_ =	task.clear_ibuf [dreg:s6], $0x4FFFF;
	_ =	strace $0x90000046  }
0xb1: {  	s29 =	simm.s32 $0x9;
	_ =	strace $0x80000048  }
0xb2: {  	_ =	swait.ge [sflag:s29], $0x1  }
0xb3: {  	[sflag:s29] =	ssyncadd.s32 $0xFFFFFFFF  }
0xb4: {  	_ =	strace $0x90000048  }
0xb5: {  	_ =	sfence  }
0xb6: {  	s30 =	sld [smem:$0x0];
	_ =	sdelay $0x2  }
0xb7: {  	s31 =	sshll.u32 s1, $0xD;
	s1 =	sshrl.u32 s1, $0x2  }
0xb8: {  	s3 =	sand.u32 $0x4000, s31;
	s1 =	sadd.s32 s1, s30  }
0xb9: {  	s0 =	sor.u32 s3, s0;
	s1 =	sshll.u32 s1, $0x11  }
0xba: {  	s0 =	sor.u32 s1, s0  }
0xbb: {  	s0 =	sadd.s32 $0x8F2B, s0  }
0xbc: {  	[sflag:s0] =	ssyncadd.remote.s32 $0x1  }
0xbd: {  	_ =	sfence.sel $0xFFFF  }
0xbe: {  	[dreg:$0x0] =	wrdreg $0xFFFFFFFF;
	(pc) =	sbr.abs _section_cstart, $3  }
0xbf: {  	[dreg:$0x1] =	wrdreg $0xFFFFFFFF  }
0xc0: {  	_ =	task.clear_ibuf [dreg:s6], $0x2FFFF;
	_ =	strace $0x9FFFFFFF  }
0xc1: {  	(tm) =	ssettm $0x7FFFFFFF  }
tec
execute0_lowered:
.L_overlay_start_1:
0x0: {  	(tag) =	ssettag $0x1  }
0x1: {  	s5 =	stileid.u32;
	s0 =	srdreg.scid  }
0x2: {  	s1 =	rddreg [dreg:$0x0];
	s2 =	simm.s32 $0x0;
	s19 =	simm.s32 $0x1800  }
0x3: {  	s20 =	simm.s32 $0x100;
	s21 =	simm.s32 $0x2800;
	s22 =	simm.s32 $0x180  }
0x4: {  	s23 =	simm.s32 $0x3800;
	s24 =	simm.s32 $0x200;
	s25 =	simm.s32 $0x4800  }
0x5: {  	s26 =	simm.s32 $0x280;
	s7 =	simm.s32 $0x80;
	s31 =	simm.s32 $0x5800  }
0x6: {  	s8 =	simm.s32 $0x800;
	s9 =	simm.s32 $0x300;
	[smem:$0x7FF] =	sst s2  }
0x7: {  	s10 =	simm.s32 $0x6800;
	_ =	strace $0x80000047;
	[dreg:$0x3] =	wrdreg s19  }
0x8: {  	s11 =	simm.s32 $0x380;
	s12 =	simm.s32 $0x7800;
	[dreg:$0x4] =	wrdreg s20  }
0x9: {  	s13 =	simm.s32 $0x400;
	s14 =	simm.s32 $0x8800;
	[dreg:$0x5] =	wrdreg s21  }
0xa: {  	s15 =	simm.s32 $0x480;
	s16 =	simm.s32 $0x9800;
	[dreg:$0x6] =	wrdreg s22  }
0xb: {  	s17 =	simm.s32 $0x500;
	s28 =	simm.s32 $0x780;
	[dreg:$0x7] =	wrdreg s23  }
0xc: {  	s29 =	simm.s32 $0xF800;
	s3 =	smul.u32 $0xC800, s5;
	[dreg:$0x8] =	wrdreg s24  }
0xd: {  	s0 =	sand.u32 $0x1, s0;
	s5 =	smul.u32 $0x190000, s5;
	[dreg:$0x9] =	wrdreg s25  }
0xe: {  	s30 =	simm.s32 $0x1;
	s4 =	smul.u32 $0x6400, s0;
	[dreg:$0xa] =	wrdreg s26  }
0xf: {  	s18 =	ssub.s32 $0x2, s0;
	s0 =	smul.u32 $0xC8000, s0;
	[dreg:$0xb] =	wrdreg s31  }
0x10: {  	s19 =	simm.s32 $0x580;
	s20 =	simm.s32 $0xB800;
	s21 =	simm.s32 $0x600  }
0x11: {  	s22 =	simm.s32 $0xC800;
	s23 =	simm.s32 $0x680;
	s24 =	simm.s32 $0xD800  }
0x12: {  	s25 =	simm.s32 $0x700;
	s26 =	simm.s32 $0xE800;
	s3 =	sadd.s32 s3, s1  }
0x13: {  	s6 =	sshrl.u32 s18, $0x1;
	s4 =	sadd.s32 s4, s3;
	s3 =	sadd.s32 $0x1E00, s1  }
0x14: {  	s1 =	sadd.s32 s5, s1;
	s5 =	ssub.s32 s18, s6;
	s4 =	sadd.s32 $0xDA9E00, s4  }
0x15: {  	s5 =	smax.u32 s5, $0x1;
	s0 =	sadd.s32 s0, s1;
	[dreg:$0x2] =	wrdreg s4  }
0x16: {  	s6 =	simm.s32 $0x2;
	[dreg:$0xc] =	wrdreg s5;
	s0 =	sadd.s32 $0xE71E00, s0  }
0x17: {  	s18 =	simm.s32 $0xA800;
	s1 =	simm.s32 $0x0;
	[dreg:$0xd] =	wrdreg s0  }
.LBB2_1:
0x18: {  	s0 =	rddreg [dreg:$0x2]  }
0x19: {  	[dreg:$0xe] =	wrdreg s1;
	s0 =	sadd.s32 $0x0, s0  }
0x1a: {  	[tilespmem:s2], [sflag:$0x2] =	stream.linear.gather [hbm4b:s0+s2], $0x800, $0x38;
	[tilespmem:$0x10800] =	vst v63  }
0x1b: {  	_ =	swait.ge [sflag:s6], $0x800  }
0x1c: {  	s0 =	rddreg [dreg:$0x4]  }
0x1d: {  	[sflag:s6] =	ssyncset.done $0x0;
	s31 =	rddreg [dreg:$0x3]  }
0x1e: {  	s5 =	rddreg [dreg:$0x5];
	[sflag:s6] =	ssyncadd.s32 $0xFFFFF800  }
0x1f: {  	[tilespmem:s8], [sflag:$0x1] =	stream.indirect.gather [hbm4b:s3+s7], $0x20, s2, s7, $0xb8;
	[tilespmem:$0x10800] =	vst v63  }
0x20: {  	s4 =	rddreg [dreg:$0x7]  }
0x21: {  	[tilespmem:s31], [sflag:$0x1] =	stream.indirect.gather [hbm4b:s3+s7], $0x20, s7, s7, $0xb8;
	[tilespmem:$0x10800] =	vst v63  }
0x22: {  	s31 =	rddreg [dreg:$0x6]  }
0x23: {  	[tilespmem:s5], [sflag:$0x1] =	stream.indirect.gather [hbm4b:s3+s7], $0x20, s0, s7, $0xb8;
	[tilespmem:$0x10800] =	vst v63  }
0x24: {  	s0 =	rddreg [dreg:$0x9]  }
0x25: {  	s5 =	rddreg [dreg:$0x8]  }
0x26: {  	[tilespmem:s4], [sflag:$0x1] =	stream.indirect.gather [hbm4b:s3+s7], $0x20, s31, s7, $0xb8;
	[tilespmem:$0x10800] =	vst v63  }
0x27: {  	s4 =	rddreg [dreg:$0xb]  }
0x28: {  	[tilespmem:s0], [sflag:$0x1] =	stream.indirect.gather [hbm4b:s3+s7], $0x20, s5, s7, $0xb8;
	[tilespmem:$0x10800] =	vst v63  }
0x29: {  	s31 =	rddreg [dreg:$0xa]  }
0x2a: {  	[tilespmem:s4], [sflag:$0x1] =	stream.indirect.gather [hbm4b:s3+s7], $0x20, s31, s7, $0xb8;
	[tilespmem:$0x10800] =	vst v63  }
0x2b: {  	_ = 	snop  }
0x2c: {  	[tilespmem:s10], [sflag:$0x1] =	stream.indirect.gather [hbm4b:s3+s7], $0x20, s9, s7, $0xb8;
	[tilespmem:$0x10800] =	vst v63  }
0x2d: {  	_ = 	snop  }
0x2e: {  	[tilespmem:s12], [sflag:$0x1] =	stream.indirect.gather [hbm4b:s3+s7], $0x20, s11, s7, $0xb8;
	[tilespmem:$0x10800] =	vst v63  }
0x2f: {  	_ = 	snop  }
0x30: {  	[tilespmem:s14], [sflag:$0x1] =	stream.indirect.gather [hbm4b:s3+s7], $0x20, s13, s7, $0xb8;
	[tilespmem:$0x10800] =	vst v63  }
0x31: {  	_ = 	snop  }
0x32: {  	[tilespmem:s16], [sflag:$0x1] =	stream.indirect.gather [hbm4b:s3+s7], $0x20, s15, s7, $0xb8;
	[tilespmem:$0x10800] =	vst v63  }
0x33: {  	_ = 	snop  }
0x34: {  	[tilespmem:s18], [sflag:$0x1] =	stream.indirect.gather [hbm4b:s3+s7], $0x20, s17, s7, $0xb8;
	[tilespmem:$0x10800] =	vst v63  }
0x35: {  	_ = 	snop  }
0x36: {  	[tilespmem:s20], [sflag:$0x1] =	stream.indirect.gather [hbm4b:s3+s7], $0x20, s19, s7, $0xb8;
	[tilespmem:$0x10800] =	vst v63  }
0x37: {  	_ = 	snop  }
0x38: {  	[tilespmem:s22], [sflag:$0x1] =	stream.indirect.gather [hbm4b:s3+s7], $0x20, s21, s7, $0xb8;
	[tilespmem:$0x10800] =	vst v63  }
0x39: {  	_ = 	snop  }
0x3a: {  	[tilespmem:s24], [sflag:$0x1] =	stream.indirect.gather [hbm4b:s3+s7], $0x20, s23, s7, $0xb8;
	[tilespmem:$0x10800] =	vst v63  }
0x3b: {  	_ = 	snop  }
0x3c: {  	[tilespmem:s26], [sflag:$0x1] =	stream.indirect.gather [hbm4b:s3+s7], $0x20, s25, s7, $0xb8;
	[tilespmem:$0x10800] =	vst v63  }
0x3d: {  	_ = 	snop  }
0x3e: {  	[tilespmem:s29], [sflag:$0x1] =	stream.indirect.gather [hbm4b:s3+s7], $0x20, s28, s7, $0xb8;
	[tilespmem:$0x10800] =	vst v63  }
0x3f: {  	_ =	swait.ge [sflag:s30], $0x1000  }
0x40: {  	[sflag:s30] =	ssyncset.done $0x0  }
0x41: {  	[sflag:s30] =	ssyncadd.s32 $0xFFFFF000  }
0x42: {  	_ =	swait.ge [sflag:s30], $0x1000  }
0x43: {  	[sflag:s30] =	ssyncset.done $0x0  }
0x44: {  	[sflag:s30] =	ssyncadd.s32 $0xFFFFF000  }
0x45: {  	_ =	swait.ge [sflag:s30], $0x1000  }
0x46: {  	[sflag:s30] =	ssyncset.done $0x0  }
0x47: {  	[sflag:s30] =	ssyncadd.s32 $0xFFFFF000  }
0x48: {  	_ =	swait.ge [sflag:s30], $0x1000  }
0x49: {  	[sflag:s30] =	ssyncset.done $0x0  }
0x4a: {  	[sflag:s30] =	ssyncadd.s32 $0xFFFFF000  }
0x4b: {  	_ =	swait.ge [sflag:s30], $0x1000  }
0x4c: {  	[sflag:s30] =	ssyncset.done $0x0  }
0x4d: {  	[sflag:s30] =	ssyncadd.s32 $0xFFFFF000  }
0x4e: {  	_ =	swait.ge [sflag:s30], $0x1000  }
0x4f: {  	[sflag:s30] =	ssyncset.done $0x0  }
0x50: {  	[sflag:s30] =	ssyncadd.s32 $0xFFFFF000  }
0x51: {  	_ =	swait.ge [sflag:s30], $0x1000  }
0x52: {  	[sflag:s30] =	ssyncset.done $0x0  }
0x53: {  	[sflag:s30] =	ssyncadd.s32 $0xFFFFF000  }
0x54: {  	_ =	swait.ge [sflag:s30], $0x1000  }
0x55: {  	[sflag:s30] =	ssyncset.done $0x0  }
0x56: {  	[sflag:s30] =	ssyncadd.s32 $0xFFFFF000  }
0x57: {  	_ =	swait.ge [sflag:s30], $0x1000  }
0x58: {  	[sflag:s30] =	ssyncset.done $0x0  }
0x59: {  	[sflag:s30] =	ssyncadd.s32 $0xFFFFF000  }
0x5a: {  	_ =	swait.ge [sflag:s30], $0x1000  }
0x5b: {  	[sflag:s30] =	ssyncset.done $0x0  }
0x5c: {  	[sflag:s30] =	ssyncadd.s32 $0xFFFFF000  }
0x5d: {  	_ =	swait.ge [sflag:s30], $0x1000  }
0x5e: {  	[sflag:s30] =	ssyncset.done $0x0  }
0x5f: {  	[sflag:s30] =	ssyncadd.s32 $0xFFFFF000  }
0x60: {  	_ =	swait.ge [sflag:s30], $0x1000  }
0x61: {  	[sflag:s30] =	ssyncset.done $0x0  }
0x62: {  	[sflag:s30] =	ssyncadd.s32 $0xFFFFF000  }
0x63: {  	_ =	swait.ge [sflag:s30], $0x1000  }
0x64: {  	[sflag:s30] =	ssyncset.done $0x0  }
0x65: {  	[sflag:s30] =	ssyncadd.s32 $0xFFFFF000  }
0x66: {  	_ =	swait.ge [sflag:s30], $0x1000  }
0x67: {  	[sflag:s30] =	ssyncset.done $0x0  }
0x68: {  	[sflag:s30] =	ssyncadd.s32 $0xFFFFF000  }
0x69: {  	_ =	swait.ge [sflag:s30], $0x1000  }
0x6a: {  	[sflag:s30] =	ssyncset.done $0x0  }
0x6b: {  	[sflag:s30] =	ssyncadd.s32 $0xFFFFF000  }
0x6c: {  	_ =	swait.ge [sflag:s30], $0x1000  }
0x6d: {  	[sflag:s30] =	ssyncset.done $0x0;
	s5 =	rddreg [dreg:$0xd]  }
0x6e: {  	s1 =	simm.s32 $0x100;
	[sflag:s30] =	ssyncadd.s32 $0xFFFFF000;
	s0 =	sadd.s32 $0x2000, s5  }
.LBB2_2:
0x6f: {  	[hbm4b:s5+s2] =	stream.linear.scatter [tilespmem:s8], [sflag:$0x2], $0x10000, $0x38;
	[tilespmem:$0x10800] =	vst v63  }
0x70: {  	_ =	swait.ge [sflag:s6], $0x10000  }
0x71: {  	s4 =	smov.u32 s1;
	s31 =	rddreg [dreg:$0x2];
	[sflag:s6] =	ssyncset.done $0x0  }
0x72: {  	[sflag:s6] =	ssyncadd.s32 $0xFFFF0000;
	s4 =	sadd.s32 s4, s31  }
0x73: {  	[tilespmem:s2], [sflag:$0x2] =	stream.linear.gather [hbm4b:s4+s2], $0x800, $0x38;
	[tilespmem:$0x10800] =	vst v63  }
0x74: {  	_ =	swait.ge [sflag:s6], $0x800  }
0x75: {  	s4 =	rddreg [dreg:$0xb]  }
0x76: {  	s31 =	rddreg [dreg:$0x9]  }
0x77: {  	[sflag:s6] =	ssyncset.done $0x0;
	s9 =	rddreg [dreg:$0x4]  }
0x78: {  	s10 =	rddreg [dreg:$0x3];
	[sflag:s6] =	ssyncadd.s32 $0xFFFFF800  }
0x79: {  	[tilespmem:s8], [sflag:$0x1] =	stream.indirect.gather [hbm4b:s3+s7], $0x20, s2, s7, $0xb8;
	[tilespmem:$0x10800] =	vst v63  }
0x7a: {  	s11 =	rddreg [dreg:$0x5]  }
0x7b: {  	[tilespmem:s10], [sflag:$0x1] =	stream.indirect.gather [hbm4b:s3+s7], $0x20, s7, s7, $0xb8;
	[tilespmem:$0x10800] =	vst v63  }
0x7c: {  	s12 =	rddreg [dreg:$0x7]  }
0x7d: {  	[tilespmem:s11], [sflag:$0x1] =	stream.indirect.gather [hbm4b:s3+s7], $0x20, s9, s7, $0xb8;
	[tilespmem:$0x10800] =	vst v63  }
0x7e: {  	s10 =	rddreg [dreg:$0x6]  }
0x7f: {  	[tilespmem:s12], [sflag:$0x1] =	stream.indirect.gather [hbm4b:s3+s7], $0x20, s10, s7, $0xb8;
	[tilespmem:$0x10800] =	vst v63  }
0x80: {  	s9 =	rddreg [dreg:$0x8]  }
0x81: {  	[tilespmem:s31], [sflag:$0x1] =	stream.indirect.gather [hbm4b:s3+s7], $0x20, s9, s7, $0xb8;
	[tilespmem:$0x10800] =	vst v63  }
0x82: {  	s10 =	rddreg [dreg:$0xa]  }
0x83: {  	[tilespmem:s4], [sflag:$0x1] =	stream.indirect.gather [hbm4b:s3+s7], $0x20, s10, s7, $0xb8;
	[tilespmem:$0x10800] =	vst v63  }
0x84: {  	s9 =	simm.s32 $0x300;
	s10 =	simm.s32 $0x6800  }
0x85: {  	[tilespmem:s10], [sflag:$0x1] =	stream.indirect.gather [hbm4b:s3+s7], $0x20, s9, s7, $0xb8;
	[tilespmem:$0x10800] =	vst v63  }
0x86: {  	s11 =	simm.s32 $0x380;
	s12 =	simm.s32 $0x7800  }
0x87: {  	[tilespmem:s12], [sflag:$0x1] =	stream.indirect.gather [hbm4b:s3+s7], $0x20, s11, s7, $0xb8;
	[tilespmem:$0x10800] =	vst v63  }
0x88: {  	_ = 	snop  }
0x89: {  	[tilespmem:s14], [sflag:$0x1] =	stream.indirect.gather [hbm4b:s3+s7], $0x20, s13, s7, $0xb8;
	[tilespmem:$0x10800] =	vst v63  }
0x8a: {  	_ = 	snop  }
0x8b: {  	[tilespmem:s16], [sflag:$0x1] =	stream.indirect.gather [hbm4b:s3+s7], $0x20, s15, s7, $0xb8;
	[tilespmem:$0x10800] =	vst v63  }
0x8c: {  	_ = 	snop  }
0x8d: {  	[tilespmem:s18], [sflag:$0x1] =	stream.indirect.gather [hbm4b:s3+s7], $0x20, s17, s7, $0xb8;
	[tilespmem:$0x10800] =	vst v63  }
0x8e: {  	_ = 	snop  }
0x8f: {  	[tilespmem:s20], [sflag:$0x1] =	stream.indirect.gather [hbm4b:s3+s7], $0x20, s19, s7, $0xb8;
	[tilespmem:$0x10800] =	vst v63  }
0x90: {  	_ = 	snop  }
0x91: {  	[tilespmem:s22], [sflag:$0x1] =	stream.indirect.gather [hbm4b:s3+s7], $0x20, s21, s7, $0xb8;
	[tilespmem:$0x10800] =	vst v63  }
0x92: {  	_ = 	snop  }
0x93: {  	[tilespmem:s24], [sflag:$0x1] =	stream.indirect.gather [hbm4b:s3+s7], $0x20, s23, s7, $0xb8;
	[tilespmem:$0x10800] =	vst v63  }
0x94: {  	_ = 	snop  }
0x95: {  	[tilespmem:s26], [sflag:$0x1] =	stream.indirect.gather [hbm4b:s3+s7], $0x20, s25, s7, $0xb8;
	[tilespmem:$0x10800] =	vst v63  }
0x96: {  	_ = 	snop  }
0x97: {  	[tilespmem:s29], [sflag:$0x1] =	stream.indirect.gather [hbm4b:s3+s7], $0x20, s28, s7, $0xb8;
	[tilespmem:$0x10800] =	vst v63  }
0x98: {  	_ =	swait.ge [sflag:s30], $0x1000  }
0x99: {  	[sflag:s30] =	ssyncset.done $0x0  }
0x9a: {  	[sflag:s30] =	ssyncadd.s32 $0xFFFFF000  }
0x9b: {  	_ =	swait.ge [sflag:s30], $0x1000  }
0x9c: {  	[sflag:s30] =	ssyncset.done $0x0  }
0x9d: {  	[sflag:s30] =	ssyncadd.s32 $0xFFFFF000  }
0x9e: {  	_ =	swait.ge [sflag:s30], $0x1000  }
0x9f: {  	[sflag:s30] =	ssyncset.done $0x0  }
0xa0: {  	[sflag:s30] =	ssyncadd.s32 $0xFFFFF000  }
0xa1: {  	_ =	swait.ge [sflag:s30], $0x1000  }
0xa2: {  	[sflag:s30] =	ssyncset.done $0x0  }
0xa3: {  	[sflag:s30] =	ssyncadd.s32 $0xFFFFF000  }
0xa4: {  	_ =	swait.ge [sflag:s30], $0x1000  }
0xa5: {  	[sflag:s30] =	ssyncset.done $0x0  }
0xa6: {  	[sflag:s30] =	ssyncadd.s32 $0xFFFFF000  }
0xa7: {  	_ =	swait.ge [sflag:s30], $0x1000  }
0xa8: {  	[sflag:s30] =	ssyncset.done $0x0  }
0xa9: {  	[sflag:s30] =	ssyncadd.s32 $0xFFFFF000  }
0xaa: {  	_ =	swait.ge [sflag:s30], $0x1000  }
0xab: {  	[sflag:s30] =	ssyncset.done $0x0  }
0xac: {  	[sflag:s30] =	ssyncadd.s32 $0xFFFFF000  }
0xad: {  	_ =	swait.ge [sflag:s30], $0x1000  }
0xae: {  	[sflag:s30] =	ssyncset.done $0x0  }
0xaf: {  	[sflag:s30] =	ssyncadd.s32 $0xFFFFF000  }
0xb0: {  	_ =	swait.ge [sflag:s30], $0x1000  }
0xb1: {  	[sflag:s30] =	ssyncset.done $0x0  }
0xb2: {  	[sflag:s30] =	ssyncadd.s32 $0xFFFFF000  }
0xb3: {  	_ =	swait.ge [sflag:s30], $0x1000  }
0xb4: {  	[sflag:s30] =	ssyncset.done $0x0  }
0xb5: {  	[sflag:s30] =	ssyncadd.s32 $0xFFFFF000  }
0xb6: {  	_ =	swait.ge [sflag:s30], $0x1000  }
0xb7: {  	[sflag:s30] =	ssyncset.done $0x0  }
0xb8: {  	[sflag:s30] =	ssyncadd.s32 $0xFFFFF000  }
0xb9: {  	_ =	swait.ge [sflag:s30], $0x1000  }
0xba: {  	[sflag:s30] =	ssyncset.done $0x0  }
0xbb: {  	[sflag:s30] =	ssyncadd.s32 $0xFFFFF000  }
0xbc: {  	_ =	swait.ge [sflag:s30], $0x1000  }
0xbd: {  	[sflag:s30] =	ssyncset.done $0x0  }
0xbe: {  	[sflag:s30] =	ssyncadd.s32 $0xFFFFF000  }
0xbf: {  	_ =	swait.ge [sflag:s30], $0x1000  }
0xc0: {  	[sflag:s30] =	ssyncset.done $0x0  }
0xc1: {  	[sflag:s30] =	ssyncadd.s32 $0xFFFFF000  }
0xc2: {  	p0 =	sne.s32 s1, $0x6300;
	_ =	swait.ge [sflag:s30], $0x1000  }
.Ltmp0:
0xc3: {  	[sflag:s30] =	ssyncset.done $0x0;
	(pc) =	sbr.rel @p0 .LBB2_2-.Ltmp0, $4  }
0xc4: {  	[sflag:s30] =	ssyncadd.s32 $0xFFFFF000  }
0xc5: {  	_ =	swait.ge [sflag:s30], $0x1000  }
0xc6: {  	s5 =	smov.u32 s0;
	[sflag:s30] =	ssyncset.done $0x0  }
0xc7: {  	s1 =	sadd.s32 $0x100, s1;
	s0 =	sadd.s32 $0x2000, s0;
	[sflag:s30] =	ssyncadd.s32 $0xFFFFF000  }
0xc8: {  	[hbm4b:s5+s2] =	stream.linear.scatter [tilespmem:s8], [sflag:$0x2], $0x10000, $0x38;
	[tilespmem:$0x10800] =	vst v63  }
0xc9: {  	_ =	swait.ge [sflag:s6], $0x10000  }
0xca: {  	s1 =	rddreg [dreg:$0xe]  }
0xcb: {  	s0 =	rddreg [dreg:$0xc];
	s1 =	sadd.s32 $0x1, s1  }
0xcc: {  	p0 =	sne.s32 s1, s0  }
.Ltmp1:
0xcd: {  	_ = 	snop;
	(pc) =	sbr.rel @p0 .LBB2_1-.Ltmp1, $3  }
0xce: {  	_ =	sdelay $0x1  }
0xcf: {  	[sflag:s6] =	ssyncset.done $0x0  }
0xd0: {  	[sflag:s6] =	ssyncadd.s32 $0xFFFF0000  }
0xd1: {  	_ =	sfence.sel $0x180000  }
0xd2: {  	[bflag:$0x0] =	sbarrier.arrive $0xFFFF  }
0xd3: {  	_ =	strace $0x90000047  }
0xd4: {  	s0 =	stileid.u32;
	[bflag:$0x2] =	sbarrier.arrive $0xFFFF  }
0xd5: {  	p0 =	sne.s32 s0, $0x0;
	s0 =	rddreg [dreg:$0x1]  }
0xd6: {  	s0 =	sadd.s32 @!p0 $0x100000, s0  }
0xd7: {  	[sflag:s0] =	ssyncadd.tile.s32 @!p0 $0x1;
	_ =	shalt  }
.Lfunc_end2:
_tile_overlayer_lowered:
.L_overlay_start_2:
0xd8: {  	(tag) =	ssettag $0x2  }
0xd9: {  	s0 =	rddreg [dreg:$0x0];
	s2 =	stileid.u32  }
0xda: {  	s1 =	rddreg [dreg:$0x1];
	p0 =	sne.s32 s2, $0x0  }
0xdb: {  	s3 =	rddreg [dreg:$0x2];
	[bflag:$0x3] =	sbarrier.arrive $0xFFFF;
	s2 =	simm.s32 @!p0 $0x1C02  }
0xdc: {  	[timem:s3], [sflag:s2] =	dma.local @!p0 [hbm:s0], s1  }
0xdd: {  	s0 =	simm.s32 @!p0 $0x2  }
0xde: {  	_ =	swait.ge @!p0 [sflag:s0], s1  }
0xdf: {  	s1 =	ssub.s32 @!p0 $0x0, s1;
	[sflag:s0] =	ssyncset.done @!p0 $0x0  }
0xe0: {  	[sflag:s0] =	ssyncadd.s32 @!p0 s1  }
0xe1: {  	[bflag:$0x3] =	sbarrier.arrive $0xFFFF  }
0xe2: {  	_ =	shalt  }

// kernel: sparse-core-data-format-call.cloned.1.call-start
scs
called_computation_lowered:
.L_overlay_start_0:
0x0: {  	s2 =	sld [smem:$0x3FD9]  }
0x1: {  	s3 =	sld [smem:$0x3FFE];
	_ =	sdelay $0x1  }
0x2: {  	s1 =	srdreg.scid  }
0x3: {  	s0 =	sand.u32 $0x1, s1  }
0x4: {  	s18 =	sshll.u32 s0, $0xA;
	s2 =	sadd.s32 s3, s2  }
0x5: {  	s2 =	sadd.s32 s2, s18  }
0x6: {  	[smem:$0x3FC1] =	sst s2  }
0x7: {  	_ = 	snop  }
0x8: {  	s2 =	sld [smem:$0x3FD0];
	(tm) =	ssettm $0x1  }
0x9: {  	s19 =	sld [smem:$0x3FFB];
	_ =	sdelay $0x3  }
0xa: {  	_ =	strace s19  }
0xb: {  	s3 =	sld [smem:$0x3FFC];
	_ =	sdelay $0x3  }
0xc: {  	_ =	strace s3  }
0xd: {  	s3 =	sld [smem:$0x3FFD];
	_ =	sdelay $0x3  }
0xe: {  	_ =	strace s3  }
0xf: {  	_ =	strace $0x8FFFFFFF  }
0x10: {  	s20 =	sld [smem:$0x3FDB];
	_ =	sdelay $0x1  }
0x11: {  	s4 =	simm.s32 $_scs_section_size  }
0x12: {  	s5 =	simm.s32 $_size__tile_overlayer_lowered;
	s6 =	simm.s32 $_tile_overlayer_lowered  }
0x13: {  	s23 =	simm.s32 $0x1BFF;
	s22 =	sshll.u32 s6, $0x1;
	s3 =	sadd.s32 s4, s20  }
0x14: {  	s7 =	simm.s32 $0x0;
	s21 =	sshll.u32 s5, $0x1;
	s5 =	sadd.s32 s22, s3  }
0x15: {  	[timem:s7], [sflag:s23] =	dma.local [hbm:s5], s21  }
0x16: {  	_ =	swait.ge [sflag:s23], s21  }
0x17: {  	s4 =	ssub.s32 $0x0, s21;
	[sflag:s23] =	ssyncset.done $0x0  }
0x18: {  	[sflag:s23] =	ssyncadd.s32 s4;
	_ =	sdelay $0x1  }
0x19: {  	s24 =	simm.s32 $0x1B8B  }
0x1a: {  	_ =	swait.ge [sflag:s24], $0x1  }
0x1b: {  	[sflag:s24] =	ssyncset.done $0x0  }
0x1c: {  	s26 =	simm.s32 $0x1B8E;
	s25 =	sld [smem:$0x3FFE];
	[sflag:s24] =	ssyncadd.s32 $0xFFFFFFFF  }
0x1d: {  	s27 =	simm.s32 $execute0_lowered;
	[smem:$0x3FD2] =	sst s26  }
0x1e: {  	s5 =	sshll.u32 s27, $0x1;
	_ =	strace $0x80000049;
	[dreg:$0x1] =	wrdreg $0xFFFFFFFF  }
0x1f: {  	s28 =	simm.s32 $_size_execute0_lowered;
	s3 =	sadd.s32 s3, s5;
	[dreg:$0x0] =	wrdreg $0x0  }
0x20: {  	s5 =	sshll.u32 s28, $0x1;
	[dreg:$0x2] =	wrdreg s3  }
0x21: {  	[dreg:$0x3] =	wrdreg s5  }
0x22: {  	[dreg:$0x4] =	wrdreg $0xC0  }
0x23: {  	_ =	task [dreg:s7], $0x5FFFF  }
0x24: {  	[dreg:$0x1] =	wrdreg $0xFFFFFFFF  }
0x25: {  	[dreg:$0x0] =	wrdreg $0x60  }
0x26: {  	[dreg:$0x2] =	wrdreg s25  }
0x27: {  	[dreg:$0x3] =	wrdreg s2  }
0x28: {  	[dreg:$0x4] =	wrdreg $0x9  }
0x29: {  	_ =	task.clear_ibuf [dreg:s7], $0x5FFFF;
	_ =	strace $0x90000049  }
0x2a: {  	s29 =	simm.s32 $0x9;
	_ =	strace $0x8000004B  }
0x2b: {  	_ =	swait.ge [sflag:s29], $0x1  }
0x2c: {  	[sflag:s29] =	ssyncadd.s32 $0xFFFFFFFF  }
0x2d: {  	_ =	strace $0x9000004B  }
0x2e: {  	_ =	sfence  }
0x2f: {  	s30 =	sld [smem:$0x0];
	_ =	sdelay $0x2  }
0x30: {  	s31 =	sshll.u32 s1, $0xD;
	s1 =	sshrl.u32 s1, $0x2  }
0x31: {  	s3 =	sand.u32 $0x4000, s31;
	s1 =	sadd.s32 s1, s30  }
0x32: {  	s0 =	sor.u32 s3, s0;
	s1 =	sshll.u32 s1, $0x11  }
0x33: {  	s0 =	sor.u32 s1, s0  }
0x34: {  	s0 =	sadd.s32 $0x8F2B, s0  }
0x35: {  	[sflag:s0] =	ssyncadd.remote.s32 $0x1  }
0x36: {  	_ =	sfence.sel $0xFFFF  }
0x37: {  	[dreg:$0x0] =	wrdreg $0xFFFFFFFF;
	(pc) =	sbr.abs _section_cstart, $3  }
0x38: {  	[dreg:$0x1] =	wrdreg $0xFFFFFFFF  }
0x39: {  	_ =	task.clear_ibuf [dreg:s7], $0x2FFFF;
	_ =	strace $0x9FFFFFFF  }
0x3a: {  	(tm) =	ssettm $0x7FFFFFFF  }
0x3b: {  	_ =	shalt  }
tec
execute0_lowered:
.L_overlay_start_1:
0x0: {  	(tag) =	ssettag $0x1  }
0x1: {  	s0 =	srdreg.scid  }
0x2: {  	s1 =	sshll.u32 s0, $0x4  }
0x3: {  	s0 =	stileid.u32;
	s1 =	sand.u32 $0x10, s1  }
0x4: {  	s1 =	sor.u32 s0, s1  }
0x5: {  	s6 =	rddreg [dreg:$0x0];
	s4 =	simm.s32 $0x1;
	s2 =	sshll.u32 s1, $0x6  }
0x6: {  	s7 =	simm.s32 $0x2;
	s13 =	simm.s32 $0x0;
	s1 =	ssub.s32 $0x1000, s2  }
0x7: {  	s8 =	simm.s32 $0x2000;
	s9 =	simm.s32 $0x80000;
	s3 =	sand.u32 $0x7C0, s1  }
0x8: {  	s14 =	simm.s32 $0x0;
	s5 =	sshrl.u32 s1, $0xB;
	p0 =	sne.s32 s3, $0x0  }
.Ltmp0:
0x9: {  	s1 =	rddreg [dreg:$0x2];
	s4 =	simm.s32 @!p0 $0x0;
	(pc) =	sbr.rel .LBB1_1-.Ltmp0, $4  }
0xa: {  	s10 =	simm.s32 $0x0;
	s3 =	rddreg [dreg:$0x1];
	s5 =	sadd.s32 s4, s5  }
0xb: {  	_ =	strace $0x8000004A;
	s4 =	simm.s32 $0x1;
	s5 =	smul.u32 $0x19, s5  }
0xc: {  	s12 =	simm.s32 $0x0;
	s6 =	sadd.s32 $0x321A00, s6;
	[sflag:s4] =	ssyncpa.u1 $0x0  }
0xd: {  	s11 =	smov.u32 s2;
	[sflag:s7] =	ssyncpa.u1 $0x0;
	s7 =	sadd.s32 $0x1, s5  }
.LBB1_7:
0xe: {  	s15 =	sadd.s32 $0x2, s10  }
0xf: {  	s13 =	sadd.s32 $0x800, s11;
	s17 =	smov.u32 s11;
	p1 =	sgt.s32 s15, $0x31  }
0x10: {  	s17 =	smov.u32 @p1 s13  }
0x11: {  	s15 =	simm.s32 @p1 $0x0;
	p1 =	sgt.s32 s17, $0xFFF  }
0x12: {  	s17 =	smov.u32 @p1 s2;
	p1 =	sne.s32 s12, s7  }
.Ltmp1:
0x13: {  	p0 =	slt.u32 s12, $0x2;
	(pc) =	sbr.rel @!p1 .LBB1_8-.Ltmp1, $4  }
0x14: {  	s16 =	simm.s32 @!p0 $0x2  }
0x15: {  	s14 =	smov.u32 s11;
	_ =	swait.ge @!p0 [sflag:s16], $0x4000  }
0x16: {  	s13 =	smov.u32 s10;
	[sflag:s16] =	ssyncset.done @!p0 $0x0;
	s10 =	smov.u32 s15  }
0x17: {  	s12 =	sadd.s32 $0x1, s12;
	[sflag:s16] =	ssyncadd.s32 @!p0 $0xFFFFC000;
	s11 =	smov.u32 s17  }
.LBB1_1:
0x18: {  	p0 =	sge.u32 s12, s5  }
0x19: {  	s15 =	sand.u32 @!p0 $0x1FFFFFF, s10  }
0x1a: {  	s16 =	smulhi.u32 @!p0 $0x4924925, s15;
	_ =	sdelay $0x1  }
0x1b: {  	s16 =	smul.u32 @!p0 $0x38, s16  }
0x1c: {  	s17 =	sxor.u32 @!p0 $0xFFFFFFFF, s12;
	s18 =	smul.u32 @!p0 $0x380, s11  }
0x1d: {  	s31 =	sadd.s32 $0xFFFFFFFF, s12;
	s17 =	sshll.u32 @!p0 s17, $0xE;
	s15 =	ssub.s32 @!p0 s15, s16  }
0x1e: {  	s16 =	sand.u32 @!p0 $0x4000, s17;
	s17 =	sadd.s32 @!p0 s6, s18;
	s15 =	sshll.u32 @!p0 s15, $0x4  }
0x1f: {  	s18 =	simm.s32 @!p0 $0x1C00;
	s15 =	sadd.s32 @!p0 s15, s17;
	s17 =	simm.s32 @!p0 $0x100  }
0x20: {  	[tilespmem:s16], [sflag:$0x1] =	stream.strided.gather @!p0 [hbm4b:s15+s17], $0x4000, s18, s17, $0x38;
	[tilespmem:$0x10000] =	vst v63  }
0x21: {  	p0 =	sge.u32 s31, s5  }
.Ltmp2:
0x22: {  	_ = 	snop;
	(pc) =	sbr.rel @p0 .LBB1_7-.Ltmp2, $1  }
0x23: {  	_ =	sdelay $0x3  }
0x24: {  	_ =	swait.ge [sflag:s4], $0x4000;
	s15 =	sshll.u32 s12, $0xE  }
0x25: {  	[sflag:s4] =	ssyncset.done $0x0;
	s16 =	sand.u32 $0x4000, s15  }
0x26: {  	s17 =	simm.s32 $0x0;
	[sflag:s4] =	ssyncadd.s32 $0xFFFFC000;
	s15 =	sor.u32 $0x8000, s16  }
.LBB1_3:
0x27: {  	s18 =	sshll.u32 s17, $0x8  }
0x28: {  	s18 =	sand.u32 $0x3FFFFF00, s18  }
0x29: {  	s19 =	sshll.u32 s17, $0x7;
	s18 =	sadd.s32 s18, s16  }
0x2a: {  	s19 =	sand.u32 $0x3FFFFF80, s19;
	v0 =	vmov s18  }
0x2b: {  	s19 =	sadd.s32 s19, s15  }
0x2c: {  	p0 =	por $0x1, $0x1;
	v1 =	vmov s19;
	s18 =	simm.s32 $0x0  }
.LBB1_4:
0x2d: {  	s19 =	sshll.u32 s18, $0x7  }
0x2e: {  	s19 =	sand.u32 $0x3FFFFF80, s19  }
0x2f: {  	v2 =	vld.idx.msk [tilespmem:v0+s19+$0x0 ss:$0x1], $0xffff  }
0x30: {  	v3 =	vld.idx.msk [tilespmem:v0+s19+$0x10 ss:$0x1], $0xffff  }
0x31: {  	v4 =	vld.idx.msk [tilespmem:v0+s19+$0x20 ss:$0x1], $0xffff  }
0x32: {  	s31 =	sshll.u32 s18, $0xD;
	v5 =	vld.idx.msk [tilespmem:v0+s19+$0x30 ss:$0x1], $0xffff  }
0x33: {  	s18 =	sand.u32 $0x3FFFE000, s31;
	v6 =	vld.idx.msk [tilespmem:v0+s19+$0x40 ss:$0x1], $0xffff  }
0x34: {  	v63 =	vld.idx.msk [tilespmem:v0+s19+$0x70 ss:$0x1], $0xffff;
	[tilespmem:v1+s18+$0x0 ss:$0x1] =	vst.idx.msk $0xffff, v2  }
0x35: {  	v2 =	vld.idx.msk [tilespmem:v0+s19+$0x50 ss:$0x1], $0xffff;
	[tilespmem:v1+s18+$0x10 ss:$0x1] =	vst.idx.msk $0xffff, v3  }
0x36: {  	p1 =	por p0, p0;
	v3 =	vld.idx.msk [tilespmem:v0+s19+$0x60 ss:$0x1], $0xffff;
	[tilespmem:v1+s18+$0x20 ss:$0x1] =	vst.idx.msk $0xffff, v4  }
.Ltmp3:
0x37: {  	[tilespmem:v1+s18+$0x30 ss:$0x1] =	vst.idx.msk $0xffff, v5;
	(pc) =	sbr.rel @p1 .LBB1_4-.Ltmp3, $4  }
0x38: {  	[tilespmem:v1+s18+$0x40 ss:$0x1] =	vst.idx.msk $0xffff, v6  }
0x39: {  	[tilespmem:v1+s18+$0x70 ss:$0x1] =	vst.idx.msk $0xffff, v63  }
0x3a: {  	[tilespmem:v1+s18+$0x50 ss:$0x1] =	vst.idx.msk $0xffff, v2  }
0x3b: {  	p0 =	por $0x0, $0x0;
	[tilespmem:v1+s18+$0x60 ss:$0x1] =	vst.idx.msk $0xffff, v3;
	s18 =	simm.s32 $0x1  }
0x3c: {  	s17 =	sadd.s32 $0x1, s17  }
0x3d: {  	p0 =	sne.s32 s17, $0x40  }
.Ltmp4:
0x3e: {  	_ = 	snop;
	(pc) =	sbr.rel @p0 .LBB1_3-.Ltmp4, $1  }
0x3f: {  	_ =	sdelay $0x3  }
.Ltmp5:
0x40: {  	s14 =	sshll.u32 s14, $0x4;
	(pc) =	sbr.rel .LBB1_7-.Ltmp5, $4  }
0x41: {  	s14 =	sand.u32 $0xFFF0, s14  }
0x42: {  	s13 =	sshll.u32 s13, $0x10;
	s14 =	sadd.s32 s3, s14  }
0x43: {  	s13 =	sadd.s32 s13, s14  }
0x44: {  	[hbm4b:s13+s8] =	stream.strided.scatter [tilespmem:s15], [sflag:$0x2], $0x4000, s9, s8, $0x38;
	[tilespmem:$0x10000] =	vst v63  }
.LBB1_8:
0x45: {  	_ =	sfence.sel $0x180000  }
0x46: {  	s2 =	simm.s32 $0x1;
	[bflag:$0x0] =	sbarrier.arrive $0xFFFF  }
0x47: {  	s31 =	simm.s32 $0x2;
	[sflag:s2] =	ssyncpa.u1 $0x1  }
0x48: {  	[sflag:s31] =	ssyncpa.u1 $0x1  }
0x49: {  	p0 =	sne.s32 s0, $0x0;
	_ =	strace $0x9000004A  }
0x4a: {  	s0 =	sadd.s32 @!p0 $0x100000, s1;
	[bflag:$0x2] =	sbarrier.arrive $0xFFFF  }
0x4b: {  	[sflag:s0] =	ssyncadd.tile.s32 @!p0 $0x1;
	_ =	shalt  }
.Lfunc_end1:
_tile_overlayer_lowered:
.L_overlay_start_2:
0x4c: {  	(tag) =	ssettag $0x2  }
0x4d: {  	s0 =	rddreg [dreg:$0x0];
	s2 =	stileid.u32  }
0x4e: {  	s1 =	rddreg [dreg:$0x1];
	p0 =	sne.s32 s2, $0x0  }
0x4f: {  	s3 =	rddreg [dreg:$0x2];
	[bflag:$0x3] =	sbarrier.arrive $0xFFFF;
	s2 =	simm.s32 @!p0 $0x1C01  }
0x50: {  	[timem:s3], [sflag:s2] =	dma.local @!p0 [hbm:s0], s1  }
0x51: {  	s0 =	simm.s32 @!p0 $0x1  }
0x52: {  	_ =	swait.ge @!p0 [sflag:s0], s1  }
0x53: {  	s1 =	ssub.s32 @!p0 $0x0, s1;
	[sflag:s0] =	ssyncset.done @!p0 $0x0  }
0x54: {  	[sflag:s0] =	ssyncadd.s32 @!p0 s1  }
0x55: {  	[bflag:$0x3] =	sbarrier.arrive $0xFFFF  }
0x56: {  	_ =	shalt  }

</sc_bundles>
